<compile_context>
chip_gen: v7x
topology: tpu7x:2x2x1
jax: 0.10.2.dev20260603
libtpu: 0.0.44.dev20260713+nightly
codegen_flags: <defaults>
</compile_context>

<pallas_src>
import functools

import jax
import jax.numpy as jnp
from jax import lax
from jax.experimental import pallas as pl
from jax.experimental.pallas import tpu as pltpu
from jax.experimental.pallas import tpu_sc as plsc

_N_CODES = 1024
_DIM = 32
_ROWS = 32768
_BLK = 4096
_NCH = 2
_CROWS = _ROWS // _NCH
_NW = 32
_RPW = _CROWS // _NW
_GCH = 128


def _assign_body(xt_ref, emb2_ref, codes_ref, dsum_ref):
    i = pl.program_id(0)
    xb = xt_ref[...]
    eb = emb2_ref[...]
    x2 = jnp.sum(xb * xb, axis=0, keepdims=True)
    e2 = 0.25 * jnp.sum(eb * eb, axis=1, keepdims=True)
    s2 = lax.dot_general(eb, xb, (((1,), (0,)), ((), ())),
                         preferred_element_type=jnp.float32)
    dT = (x2 - s2) + e2
    idx = jnp.argmin(dT, axis=0).astype(jnp.int32)
    codes_ref[...] = idx
    part = jnp.sum(jnp.min(dT, axis=0)).reshape(1, 1)

    @pl.when(i == 0)
    def _init():
        dsum_ref[...] = part

    @pl.when(i != 0)
    def _acc():
        dsum_ref[...] = dsum_ref[...] + part


def _assign(xt, emb2, chunk):
    base = chunk * (_CROWS // _BLK)
    return pl.pallas_call(
        _assign_body,
        grid=(_CROWS // _BLK,),
        in_specs=[
            pl.BlockSpec((_DIM, _BLK), lambda i: (0, base + i)),
            pl.BlockSpec((_N_CODES, _DIM), lambda i: (0, 0)),
        ],
        out_specs=[
            pl.BlockSpec((_BLK,), lambda i: (i,)),
            pl.BlockSpec((1, 1), lambda i: (0, 0)),
        ],
        out_shape=[
            jax.ShapeDtypeStruct((_CROWS,), jnp.int32),
            jax.ShapeDtypeStruct((1, 1), jnp.float32),
        ],
    )(xt, emb2)


def _sc_body(emb_hbm, codes_hbm, q_hbm, idx_v, rows_v, sem):
    wid = lax.axis_index("s") * 2 + lax.axis_index("c")
    base = wid * _RPW
    pltpu.sync_copy(codes_hbm.at[pl.ds(base, _RPW)], idx_v)
    copies = []
    for j in range(_RPW // _GCH):
        copies.append(pltpu.async_copy(
            emb_hbm.at[idx_v.at[pl.ds(j * _GCH, _GCH)]],
            rows_v.at[pl.ds(j * _GCH, _GCH)], sem))
    for c in copies:
        c.wait()
    pltpu.sync_copy(rows_v, q_hbm.at[pl.ds(base, _RPW)])


@functools.cache
def _sc_gather():
    return pl.kernel(
        _sc_body,
        out_type=jax.ShapeDtypeStruct((_CROWS, _DIM), jnp.float32),
        mesh=plsc.VectorSubcoreMesh(core_axis_name="c", subcore_axis_name="s"),
        compiler_params=pltpu.CompilerParams(use_tc_tiling_on_sc=False),
        scratch_types=[
            pltpu.VMEM((_RPW,), jnp.int32),
            pltpu.VMEM((_RPW, _DIM), jnp.float32),
            pltpu.SemaphoreType.DMA,
        ],
    )


@jax.jit
def kernel(x, embedding):
    xt = x.T
    emb2 = embedding * 2.0
    codes_parts = []
    dsum_parts = []
    q_parts = []
    for c in range(_NCH):
        codes3, dsum = _assign(xt, emb2, c)
        codes_parts.append(codes3)
        dsum_parts.append(dsum[0, 0])
        q_parts.append(_sc_gather()(embedding, codes_parts[-1]))
    quantize_st = jnp.concatenate(q_parts, axis=0)
    codes = jnp.concatenate(codes_parts, axis=0)
    diff = sum(dsum_parts) / jnp.float32(_ROWS * _DIM)
    return quantize_st, diff, codes.reshape(_ROWS, 1)

# --- scband reference (transcript-rebuilt; emitter-appended) ---
"""Pipeline reference for scband-vector-quantize-ema-12086037971138 (READ-ONLY COPY).

The authoritative reference and input builder live on the scoring server;
editing this copy changes nothing except your own understanding.
"""

import jax, jax.numpy as jnp
import numpy as np

N_CODES = 1024
DIM = 32
N_GROUPS = 1

def setup_inputs(seed: int = 0) -> dict:
    key = jax.random.key(seed)
    k1, k2 = jax.random.split(key)
    x = jax.random.normal(k1, (32768, 32), dtype=jnp.float32)
    embedding = jax.random.normal(k2, (N_CODES, DIM), dtype=jnp.float32)
    return {"x": x, "embedding": embedding}

def reference(x, embedding):
    # eval-mode forward of VectorQuantizeEMA (no EMA update, init done)
    x_ = x.reshape(-1, DIM)
    emb_t = embedding.T
    distance = jnp.sum(x_ ** 2, axis=1, keepdims=True) - 2.0 * (x_ @ emb_t) + jnp.sum(emb_t ** 2, axis=0, keepdims=True)
    embed_idx = jnp.argmax(-distance, axis=1)
    embed_onehot = jax.nn.one_hot(embed_idx, N_CODES, dtype=x_.dtype)  # computed in forward (unused in eval)
    quantize = jnp.take(embedding, embed_idx, axis=0).reshape(-1, N_GROUPS * DIM)
    diff = jnp.mean((jax.lax.stop_gradient(quantize) - x) ** 2)
    quantize_st = x + jax.lax.stop_gradient(quantize - x)  # straight-through
    codes = embed_idx.reshape(-1, N_GROUPS)
    return (quantize_st, diff, codes)

if __name__ == "__main__":
    import jax
    _d = setup_inputs()
    print(jax.jit(kernel)(*tuple(_d.values())))

</pallas_src>

<mosaic_0001>
#map = affine_map<(d0, d1) -> (0, 0)>
#map1 = affine_map<(d0, d1) -> (0)>
module attributes {stable_mosaic.version = 14 : i64} {
  func.func @_sc_body(%arg0: i32, %arg1: i32, %arg2: memref<1024x32xf32, #tpu.memory_space<hbm>>, %arg3: memref<16384xi32, #tpu.memory_space<hbm>>, %arg4: memref<16384x32xf32, #tpu.memory_space<hbm>>, %arg5: memref<512xi32, #tpu.memory_space<vmem>>, %arg6: memref<512x32xf32, #tpu.memory_space<vmem>>, %arg7: memref<!tpu.dma_semaphore, #tpu.memory_space<semaphore_mem>>) attributes {dimension_semantics = [#tpu.dimension_semantics<core_parallel>, #tpu.dimension_semantics<subcore_parallel>], iteration_bounds = array<i64: 2, 16>, scalar_prefetch = 0 : i64, scratch_operands = 3 : i64, tpu.core_type = #tpu.core_type<sc_vector_subcore>, window_params = [{transform_indices = #map}, {transform_indices = #map1}, {transform_indices = #map}]} {
    %mul3A = arith.constant 2 : i32
    %mul3A_0 = arith.muli %arg1, %mul3A : i32
    %add3A = arith.addi %mul3A_0, %arg0 : i32
    %mul3A_1 = arith.constant 512 : i32
    %mul3A_2 = arith.muli %add3A, %mul3A_1 : i32
    "tpu.region"() ({
      %run_scoped3A = tpu.sem_alloc : memref<!tpu.dma_semaphore, #tpu.memory_space<semaphore_mem>>
      %dma_start3A_65 = tpu.memref_slice %arg3[%mul3A_2] : memref<16384xi32, #tpu.memory_space<hbm>> -> memref<512xi32, #tpu.memory_space<hbm>>
      %dma_start3A_66 = tpu.memref_slice %arg3[%mul3A_2] : memref<16384xi32, #tpu.memory_space<hbm>> -> memref<512xi32, #tpu.memory_space<hbm>>
      tpu.enqueue_dma source(%dma_start3A_66 : memref<512xi32, #tpu.memory_space<hbm>>) target(%arg5 : memref<512xi32, #tpu.memory_space<vmem>>) target_semaphore(%run_scoped3A : memref<!tpu.dma_semaphore, #tpu.memory_space<semaphore_mem>>)
      %dma_wait3A_67 = tpu.memref_slice %arg3[%mul3A_2] : memref<16384xi32, #tpu.memory_space<hbm>> -> memref<512xi32, #tpu.memory_space<hbm>>
      %dma_wait3A_68 = tpu.memref_slice %arg3[%mul3A_2] : memref<16384xi32, #tpu.memory_space<hbm>> -> memref<512xi32, #tpu.memory_space<hbm>>
      tpu.wait_dma2 semaphore(%run_scoped3A : memref<!tpu.dma_semaphore, #tpu.memory_space<semaphore_mem>>) src(%dma_wait3A_68 : memref<512xi32, #tpu.memory_space<hbm>>) dst(%arg5 : memref<512xi32, #tpu.memory_space<vmem>>)
      tpu.yield
    }) : () -> ()
    %dma_start3A = arith.constant 0 : i32
    %dma_start3A_3 = arith.constant 0 : i32
    %dma_start3A_4 = tpu.memref_slice %arg6[%dma_start3A, %dma_start3A_3] : memref<512x32xf32, #tpu.memory_space<vmem>> -> memref<128x32xf32, #tpu.memory_space<vmem>>
    %dma_start3A_5 = arith.constant 0 : i32
    %dma_start3A_6 = tpu.memref_slice %arg5[%dma_start3A_5] : memref<512xi32, #tpu.memory_space<vmem>> -> memref<128xi32, #tpu.memory_space<vmem>>
    %dma_start3A_7 = arith.constant 0 : i32
    %dma_start3A_8 = arith.constant 0 : i32
    %dma_start3A_9 = tpu.memref_slice %arg2[%dma_start3A_7, %dma_start3A_8] : memref<1024x32xf32, #tpu.memory_space<hbm>> -> memref<1024x32xf32, #tpu.memory_space<hbm>>
    tpu.enqueue_indirect_dma source(%dma_start3A_9 : memref<1024x32xf32, #tpu.memory_space<hbm>>) target(%dma_start3A_4 : memref<128x32xf32, #tpu.memory_space<vmem>>) offsets(%dma_start3A_6 : memref<128xi32, #tpu.memory_space<vmem>>) semaphore(%arg7 : memref<!tpu.dma_semaphore, #tpu.memory_space<semaphore_mem>>)
    %dma_start3A_10 = arith.constant 128 : i32
    %dma_start3A_11 = arith.constant 0 : i32
    %dma_start3A_12 = tpu.memref_slice %arg6[%dma_start3A_10, %dma_start3A_11] : memref<512x32xf32, #tpu.memory_space<vmem>> -> memref<128x32xf32, #tpu.memory_space<vmem>>
    %dma_start3A_13 = arith.constant 128 : i32
    %dma_start3A_14 = tpu.memref_slice %arg5[%dma_start3A_13] : memref<512xi32, #tpu.memory_space<vmem>> -> memref<128xi32, #tpu.memory_space<vmem>>
    %dma_start3A_15 = arith.constant 0 : i32
    %dma_start3A_16 = arith.constant 0 : i32
    %dma_start3A_17 = tpu.memref_slice %arg2[%dma_start3A_15, %dma_start3A_16] : memref<1024x32xf32, #tpu.memory_space<hbm>> -> memref<1024x32xf32, #tpu.memory_space<hbm>>
    tpu.enqueue_indirect_dma source(%dma_start3A_17 : memref<1024x32xf32, #tpu.memory_space<hbm>>) target(%dma_start3A_12 : memref<128x32xf32, #tpu.memory_space<vmem>>) offsets(%dma_start3A_14 : memref<128xi32, #tpu.memory_space<vmem>>) semaphore(%arg7 : memref<!tpu.dma_semaphore, #tpu.memory_space<semaphore_mem>>)
    %dma_start3A_18 = arith.constant 256 : i32
    %dma_start3A_19 = arith.constant 0 : i32
    %dma_start3A_20 = tpu.memref_slice %arg6[%dma_start3A_18, %dma_start3A_19] : memref<512x32xf32, #tpu.memory_space<vmem>> -> memref<128x32xf32, #tpu.memory_space<vmem>>
    %dma_start3A_21 = arith.constant 256 : i32
    %dma_start3A_22 = tpu.memref_slice %arg5[%dma_start3A_21] : memref<512xi32, #tpu.memory_space<vmem>> -> memref<128xi32, #tpu.memory_space<vmem>>
    %dma_start3A_23 = arith.constant 0 : i32
    %dma_start3A_24 = arith.constant 0 : i32
    %dma_start3A_25 = tpu.memref_slice %arg2[%dma_start3A_23, %dma_start3A_24] : memref<1024x32xf32, #tpu.memory_space<hbm>> -> memref<1024x32xf32, #tpu.memory_space<hbm>>
    tpu.enqueue_indirect_dma source(%dma_start3A_25 : memref<1024x32xf32, #tpu.memory_space<hbm>>) target(%dma_start3A_20 : memref<128x32xf32, #tpu.memory_space<vmem>>) offsets(%dma_start3A_22 : memref<128xi32, #tpu.memory_space<vmem>>) semaphore(%arg7 : memref<!tpu.dma_semaphore, #tpu.memory_space<semaphore_mem>>)
    %dma_start3A_26 = arith.constant 384 : i32
    %dma_start3A_27 = arith.constant 0 : i32
    %dma_start3A_28 = tpu.memref_slice %arg6[%dma_start3A_26, %dma_start3A_27] : memref<512x32xf32, #tpu.memory_space<vmem>> -> memref<128x32xf32, #tpu.memory_space<vmem>>
    %dma_start3A_29 = arith.constant 384 : i32
    %dma_start3A_30 = tpu.memref_slice %arg5[%dma_start3A_29] : memref<512xi32, #tpu.memory_space<vmem>> -> memref<128xi32, #tpu.memory_space<vmem>>
    %dma_start3A_31 = arith.constant 0 : i32
    %dma_start3A_32 = arith.constant 0 : i32
    %dma_start3A_33 = tpu.memref_slice %arg2[%dma_start3A_31, %dma_start3A_32] : memref<1024x32xf32, #tpu.memory_space<hbm>> -> memref<1024x32xf32, #tpu.memory_space<hbm>>
    tpu.enqueue_indirect_dma source(%dma_start3A_33 : memref<1024x32xf32, #tpu.memory_space<hbm>>) target(%dma_start3A_28 : memref<128x32xf32, #tpu.memory_space<vmem>>) offsets(%dma_start3A_30 : memref<128xi32, #tpu.memory_space<vmem>>) semaphore(%arg7 : memref<!tpu.dma_semaphore, #tpu.memory_space<semaphore_mem>>)
    %dma_wait3A = arith.constant 0 : i32
    %dma_wait3A_34 = arith.constant 0 : i32
    %dma_wait3A_35 = tpu.memref_slice %arg6[%dma_wait3A, %dma_wait3A_34] : memref<512x32xf32, #tpu.memory_space<vmem>> -> memref<128x32xf32, #tpu.memory_space<vmem>>
    %dma_wait3A_36 = arith.constant 0 : i32
    %dma_wait3A_37 = tpu.memref_slice %arg5[%dma_wait3A_36] : memref<512xi32, #tpu.memory_space<vmem>> -> memref<128xi32, #tpu.memory_space<vmem>>
    %dma_wait3A_38 = arith.constant 0 : i32
    %dma_wait3A_39 = arith.constant 0 : i32
    %dma_wait3A_40 = tpu.memref_slice %arg2[%dma_wait3A_38, %dma_wait3A_39] : memref<1024x32xf32, #tpu.memory_space<hbm>> -> memref<1024x32xf32, #tpu.memory_space<hbm>>
    tpu.wait_indirect_dma semaphore(%arg7 : memref<!tpu.dma_semaphore, #tpu.memory_space<semaphore_mem>>) src(%dma_wait3A_40 : memref<1024x32xf32, #tpu.memory_space<hbm>>) dst(%dma_wait3A_35 : memref<128x32xf32, #tpu.memory_space<vmem>>)
    %dma_wait3A_41 = arith.constant 128 : i32
    %dma_wait3A_42 = arith.constant 0 : i32
    %dma_wait3A_43 = tpu.memref_slice %arg6[%dma_wait3A_41, %dma_wait3A_42] : memref<512x32xf32, #tpu.memory_space<vmem>> -> memref<128x32xf32, #tpu.memory_space<vmem>>
    %dma_wait3A_44 = arith.constant 128 : i32
    %dma_wait3A_45 = tpu.memref_slice %arg5[%dma_wait3A_44] : memref<512xi32, #tpu.memory_space<vmem>> -> memref<128xi32, #tpu.memory_space<vmem>>
    %dma_wait3A_46 = arith.constant 0 : i32
    %dma_wait3A_47 = arith.constant 0 : i32
    %dma_wait3A_48 = tpu.memref_slice %arg2[%dma_wait3A_46, %dma_wait3A_47] : memref<1024x32xf32, #tpu.memory_space<hbm>> -> memref<1024x32xf32, #tpu.memory_space<hbm>>
    tpu.wait_indirect_dma semaphore(%arg7 : memref<!tpu.dma_semaphore, #tpu.memory_space<semaphore_mem>>) src(%dma_wait3A_48 : memref<1024x32xf32, #tpu.memory_space<hbm>>) dst(%dma_wait3A_43 : memref<128x32xf32, #tpu.memory_space<vmem>>)
    %dma_wait3A_49 = arith.constant 256 : i32
    %dma_wait3A_50 = arith.constant 0 : i32
    %dma_wait3A_51 = tpu.memref_slice %arg6[%dma_wait3A_49, %dma_wait3A_50] : memref<512x32xf32, #tpu.memory_space<vmem>> -> memref<128x32xf32, #tpu.memory_space<vmem>>
    %dma_wait3A_52 = arith.constant 256 : i32
    %dma_wait3A_53 = tpu.memref_slice %arg5[%dma_wait3A_52] : memref<512xi32, #tpu.memory_space<vmem>> -> memref<128xi32, #tpu.memory_space<vmem>>
    %dma_wait3A_54 = arith.constant 0 : i32
    %dma_wait3A_55 = arith.constant 0 : i32
    %dma_wait3A_56 = tpu.memref_slice %arg2[%dma_wait3A_54, %dma_wait3A_55] : memref<1024x32xf32, #tpu.memory_space<hbm>> -> memref<1024x32xf32, #tpu.memory_space<hbm>>
    tpu.wait_indirect_dma semaphore(%arg7 : memref<!tpu.dma_semaphore, #tpu.memory_space<semaphore_mem>>) src(%dma_wait3A_56 : memref<1024x32xf32, #tpu.memory_space<hbm>>) dst(%dma_wait3A_51 : memref<128x32xf32, #tpu.memory_space<vmem>>)
    %dma_wait3A_57 = arith.constant 384 : i32
    %dma_wait3A_58 = arith.constant 0 : i32
    %dma_wait3A_59 = tpu.memref_slice %arg6[%dma_wait3A_57, %dma_wait3A_58] : memref<512x32xf32, #tpu.memory_space<vmem>> -> memref<128x32xf32, #tpu.memory_space<vmem>>
    %dma_wait3A_60 = arith.constant 384 : i32
    %dma_wait3A_61 = tpu.memref_slice %arg5[%dma_wait3A_60] : memref<512xi32, #tpu.memory_space<vmem>> -> memref<128xi32, #tpu.memory_space<vmem>>
    %dma_wait3A_62 = arith.constant 0 : i32
    %dma_wait3A_63 = arith.constant 0 : i32
    %dma_wait3A_64 = tpu.memref_slice %arg2[%dma_wait3A_62, %dma_wait3A_63] : memref<1024x32xf32, #tpu.memory_space<hbm>> -> memref<1024x32xf32, #tpu.memory_space<hbm>>
    tpu.wait_indirect_dma semaphore(%arg7 : memref<!tpu.dma_semaphore, #tpu.memory_space<semaphore_mem>>) src(%dma_wait3A_64 : memref<1024x32xf32, #tpu.memory_space<hbm>>) dst(%dma_wait3A_59 : memref<128x32xf32, #tpu.memory_space<vmem>>)
    "tpu.region"() ({
      %run_scoped3A = tpu.sem_alloc : memref<!tpu.dma_semaphore, #tpu.memory_space<semaphore_mem>>
      %dma_start3A_65 = arith.constant 0 : i32
      %dma_start3A_66 = tpu.memref_slice %arg4[%mul3A_2, %dma_start3A_65] : memref<16384x32xf32, #tpu.memory_space<hbm>> -> memref<512x32xf32, #tpu.memory_space<hbm>>
      %dma_start3A_67 = arith.constant 0 : i32
      %dma_start3A_68 = tpu.memref_slice %arg4[%mul3A_2, %dma_start3A_67] : memref<16384x32xf32, #tpu.memory_space<hbm>> -> memref<512x32xf32, #tpu.memory_space<hbm>>
      tpu.enqueue_dma source(%arg6 : memref<512x32xf32, #tpu.memory_space<vmem>>) target(%dma_start3A_68 : memref<512x32xf32, #tpu.memory_space<hbm>>) target_semaphore(%run_scoped3A : memref<!tpu.dma_semaphore, #tpu.memory_space<semaphore_mem>>)
      %dma_wait3A_69 = arith.constant 0 : i32
      %dma_wait3A_70 = tpu.memref_slice %arg4[%mul3A_2, %dma_wait3A_69] : memref<16384x32xf32, #tpu.memory_space<hbm>> -> memref<512x32xf32, #tpu.memory_space<hbm>>
      %dma_wait3A_71 = arith.constant 0 : i32
      %dma_wait3A_72 = tpu.memref_slice %arg4[%mul3A_2, %dma_wait3A_71] : memref<16384x32xf32, #tpu.memory_space<hbm>> -> memref<512x32xf32, #tpu.memory_space<hbm>>
      tpu.wait_dma2 semaphore(%run_scoped3A : memref<!tpu.dma_semaphore, #tpu.memory_space<semaphore_mem>>) src(%arg6 : memref<512x32xf32, #tpu.memory_space<vmem>>) dst(%dma_wait3A_72 : memref<512x32xf32, #tpu.memory_space<hbm>>)
      tpu.yield
    }) : () -> ()
    return
  }
}

#map = affine_map<(d0, d1) -> (0, 0)>
#map1 = affine_map<(d0, d1) -> (0)>
module attributes {stable_mosaic.version = 14 : i64} {
  func.func @_sc_body(%arg0: i32, %arg1: i32, %arg2: memref<1024x32xf32, #tpu.memory_space<hbm>>, %arg3: memref<16384xi32, #tpu.memory_space<hbm>>, %arg4: memref<16384x32xf32, #tpu.memory_space<hbm>>, %arg5: memref<512xi32, #tpu.memory_space<vmem>>, %arg6: memref<512x32xf32, #tpu.memory_space<vmem>>, %arg7: memref<!tpu.dma_semaphore, #tpu.memory_space<semaphore_mem>>) attributes {dimension_semantics = [#tpu.dimension_semantics<core_parallel>, #tpu.dimension_semantics<subcore_parallel>], iteration_bounds = array<i64: 2, 16>, scalar_prefetch = 0 : i64, scratch_operands = 3 : i64, tpu.core_type = #tpu.core_type<sc_vector_subcore>, window_params = [{transform_indices = #map}, {transform_indices = #map1}, {transform_indices = #map}]} {
    %mul3A = arith.constant 2 : i32
    %mul3A_0 = arith.muli %arg1, %mul3A : i32
    %add3A = arith.addi %mul3A_0, %arg0 : i32
    %mul3A_1 = arith.constant 512 : i32
    %mul3A_2 = arith.muli %add3A, %mul3A_1 : i32
    "tpu.region"() ({
      %run_scoped3A = tpu.sem_alloc : memref<!tpu.dma_semaphore, #tpu.memory_space<semaphore_mem>>
      %dma_start3A_65 = tpu.memref_slice %arg3[%mul3A_2] : memref<16384xi32, #tpu.memory_space<hbm>> -> memref<512xi32, #tpu.memory_space<hbm>>
      %dma_start3A_66 = tpu.memref_slice %arg3[%mul3A_2] : memref<16384xi32, #tpu.memory_space<hbm>> -> memref<512xi32, #tpu.memory_space<hbm>>
      tpu.enqueue_dma source(%dma_start3A_66 : memref<512xi32, #tpu.memory_space<hbm>>) target(%arg5 : memref<512xi32, #tpu.memory_space<vmem>>) target_semaphore(%run_scoped3A : memref<!tpu.dma_semaphore, #tpu.memory_space<semaphore_mem>>)
      %dma_wait3A_67 = tpu.memref_slice %arg3[%mul3A_2] : memref<16384xi32, #tpu.memory_space<hbm>> -> memref<512xi32, #tpu.memory_space<hbm>>
      %dma_wait3A_68 = tpu.memref_slice %arg3[%mul3A_2] : memref<16384xi32, #tpu.memory_space<hbm>> -> memref<512xi32, #tpu.memory_space<hbm>>
      tpu.wait_dma2 semaphore(%run_scoped3A : memref<!tpu.dma_semaphore, #tpu.memory_space<semaphore_mem>>) src(%dma_wait3A_68 : memref<512xi32, #tpu.memory_space<hbm>>) dst(%arg5 : memref<512xi32, #tpu.memory_space<vmem>>)
      tpu.yield
    }) : () -> ()
    %dma_start3A = arith.constant 0 : i32
    %dma_start3A_3 = arith.constant 0 : i32
    %dma_start3A_4 = tpu.memref_slice %arg6[%dma_start3A, %dma_start3A_3] : memref<512x32xf32, #tpu.memory_space<vmem>> -> memref<128x32xf32, #tpu.memory_space<vmem>>
    %dma_start3A_5 = arith.constant 0 : i32
    %dma_start3A_6 = tpu.memref_slice %arg5[%dma_start3A_5] : memref<512xi32, #tpu.memory_space<vmem>> -> memref<128xi32, #tpu.memory_space<vmem>>
    %dma_start3A_7 = arith.constant 0 : i32
    %dma_start3A_8 = arith.constant 0 : i32
    %dma_start3A_9 = tpu.memref_slice %arg2[%dma_start3A_7, %dma_start3A_8] : memref<1024x32xf32, #tpu.memory_space<hbm>> -> memref<1024x32xf32, #tpu.memory_space<hbm>>
    tpu.enqueue_indirect_dma source(%dma_start3A_9 : memref<1024x32xf32, #tpu.memory_space<hbm>>) target(%dma_start3A_4 : memref<128x32xf32, #tpu.memory_space<vmem>>) offsets(%dma_start3A_6 : memref<128xi32, #tpu.memory_space<vmem>>) semaphore(%arg7 : memref<!tpu.dma_semaphore, #tpu.memory_space<semaphore_mem>>)
    %dma_start3A_10 = arith.constant 128 : i32
    %dma_start3A_11 = arith.constant 0 : i32
    %dma_start3A_12 = tpu.memref_slice %arg6[%dma_start3A_10, %dma_start3A_11] : memref<512x32xf32, #tpu.memory_space<vmem>> -> memref<128x32xf32, #tpu.memory_space<vmem>>
    %dma_start3A_13 = arith.constant 128 : i32
    %dma_start3A_14 = tpu.memref_slice %arg5[%dma_start3A_13] : memref<512xi32, #tpu.memory_space<vmem>> -> memref<128xi32, #tpu.memory_space<vmem>>
    %dma_start3A_15 = arith.constant 0 : i32
    %dma_start3A_16 = arith.constant 0 : i32
    %dma_start3A_17 = tpu.memref_slice %arg2[%dma_start3A_15, %dma_start3A_16] : memref<1024x32xf32, #tpu.memory_space<hbm>> -> memref<1024x32xf32, #tpu.memory_space<hbm>>
    tpu.enqueue_indirect_dma source(%dma_start3A_17 : memref<1024x32xf32, #tpu.memory_space<hbm>>) target(%dma_start3A_12 : memref<128x32xf32, #tpu.memory_space<vmem>>) offsets(%dma_start3A_14 : memref<128xi32, #tpu.memory_space<vmem>>) semaphore(%arg7 : memref<!tpu.dma_semaphore, #tpu.memory_space<semaphore_mem>>)
    %dma_start3A_18 = arith.constant 256 : i32
    %dma_start3A_19 = arith.constant 0 : i32
    %dma_start3A_20 = tpu.memref_slice %arg6[%dma_start3A_18, %dma_start3A_19] : memref<512x32xf32, #tpu.memory_space<vmem>> -> memref<128x32xf32, #tpu.memory_space<vmem>>
    %dma_start3A_21 = arith.constant 256 : i32
    %dma_start3A_22 = tpu.memref_slice %arg5[%dma_start3A_21] : memref<512xi32, #tpu.memory_space<vmem>> -> memref<128xi32, #tpu.memory_space<vmem>>
    %dma_start3A_23 = arith.constant 0 : i32
    %dma_start3A_24 = arith.constant 0 : i32
    %dma_start3A_25 = tpu.memref_slice %arg2[%dma_start3A_23, %dma_start3A_24] : memref<1024x32xf32, #tpu.memory_space<hbm>> -> memref<1024x32xf32, #tpu.memory_space<hbm>>
    tpu.enqueue_indirect_dma source(%dma_start3A_25 : memref<1024x32xf32, #tpu.memory_space<hbm>>) target(%dma_start3A_20 : memref<128x32xf32, #tpu.memory_space<vmem>>) offsets(%dma_start3A_22 : memref<128xi32, #tpu.memory_space<vmem>>) semaphore(%arg7 : memref<!tpu.dma_semaphore, #tpu.memory_space<semaphore_mem>>)
    %dma_start3A_26 = arith.constant 384 : i32
    %dma_start3A_27 = arith.constant 0 : i32
    %dma_start3A_28 = tpu.memref_slice %arg6[%dma_start3A_26, %dma_start3A_27] : memref<512x32xf32, #tpu.memory_space<vmem>> -> memref<128x32xf32, #tpu.memory_space<vmem>>
    %dma_start3A_29 = arith.constant 384 : i32
    %dma_start3A_30 = tpu.memref_slice %arg5[%dma_start3A_29] : memref<512xi32, #tpu.memory_space<vmem>> -> memref<128xi32, #tpu.memory_space<vmem>>
    %dma_start3A_31 = arith.constant 0 : i32
    %dma_start3A_32 = arith.constant 0 : i32
    %dma_start3A_33 = tpu.memref_slice %arg2[%dma_start3A_31, %dma_start3A_32] : memref<1024x32xf32, #tpu.memory_space<hbm>> -> memref<1024x32xf32, #tpu.memory_space<hbm>>
    tpu.enqueue_indirect_dma source(%dma_start3A_33 : memref<1024x32xf32, #tpu.memory_space<hbm>>) target(%dma_start3A_28 : memref<128x32xf32, #tpu.memory_space<vmem>>) offsets(%dma_start3A_30 : memref<128xi32, #tpu.memory_space<vmem>>) semaphore(%arg7 : memref<!tpu.dma_semaphore, #tpu.memory_space<semaphore_mem>>)
    %dma_wait3A = arith.constant 0 : i32
    %dma_wait3A_34 = arith.constant 0 : i32
    %dma_wait3A_35 = tpu.memref_slice %arg6[%dma_wait3A, %dma_wait3A_34] : memref<512x32xf32, #tpu.memory_space<vmem>> -> memref<128x32xf32, #tpu.memory_space<vmem>>
    %dma_wait3A_36 = arith.constant 0 : i32
    %dma_wait3A_37 = tpu.memref_slice %arg5[%dma_wait3A_36] : memref<512xi32, #tpu.memory_space<vmem>> -> memref<128xi32, #tpu.memory_space<vmem>>
    %dma_wait3A_38 = arith.constant 0 : i32
    %dma_wait3A_39 = arith.constant 0 : i32
    %dma_wait3A_40 = tpu.memref_slice %arg2[%dma_wait3A_38, %dma_wait3A_39] : memref<1024x32xf32, #tpu.memory_space<hbm>> -> memref<1024x32xf32, #tpu.memory_space<hbm>>
    tpu.wait_indirect_dma semaphore(%arg7 : memref<!tpu.dma_semaphore, #tpu.memory_space<semaphore_mem>>) src(%dma_wait3A_40 : memref<1024x32xf32, #tpu.memory_space<hbm>>) dst(%dma_wait3A_35 : memref<128x32xf32, #tpu.memory_space<vmem>>)
    %dma_wait3A_41 = arith.constant 128 : i32
    %dma_wait3A_42 = arith.constant 0 : i32
    %dma_wait3A_43 = tpu.memref_slice %arg6[%dma_wait3A_41, %dma_wait3A_42] : memref<512x32xf32, #tpu.memory_space<vmem>> -> memref<128x32xf32, #tpu.memory_space<vmem>>
    %dma_wait3A_44 = arith.constant 128 : i32
    %dma_wait3A_45 = tpu.memref_slice %arg5[%dma_wait3A_44] : memref<512xi32, #tpu.memory_space<vmem>> -> memref<128xi32, #tpu.memory_space<vmem>>
    %dma_wait3A_46 = arith.constant 0 : i32
    %dma_wait3A_47 = arith.constant 0 : i32
    %dma_wait3A_48 = tpu.memref_slice %arg2[%dma_wait3A_46, %dma_wait3A_47] : memref<1024x32xf32, #tpu.memory_space<hbm>> -> memref<1024x32xf32, #tpu.memory_space<hbm>>
    tpu.wait_indirect_dma semaphore(%arg7 : memref<!tpu.dma_semaphore, #tpu.memory_space<semaphore_mem>>) src(%dma_wait3A_48 : memref<1024x32xf32, #tpu.memory_space<hbm>>) dst(%dma_wait3A_43 : memref<128x32xf32, #tpu.memory_space<vmem>>)
    %dma_wait3A_49 = arith.constant 256 : i32
    %dma_wait3A_50 = arith.constant 0 : i32
    %dma_wait3A_51 = tpu.memref_slice %arg6[%dma_wait3A_49, %dma_wait3A_50] : memref<512x32xf32, #tpu.memory_space<vmem>> -> memref<128x32xf32, #tpu.memory_space<vmem>>
    %dma_wait3A_52 = arith.constant 256 : i32
    %dma_wait3A_53 = tpu.memref_slice %arg5[%dma_wait3A_52] : memref<512xi32, #tpu.memory_space<vmem>> -> memref<128xi32, #tpu.memory_space<vmem>>
    %dma_wait3A_54 = arith.constant 0 : i32
    %dma_wait3A_55 = arith.constant 0 : i32
    %dma_wait3A_56 = tpu.memref_slice %arg2[%dma_wait3A_54, %dma_wait3A_55] : memref<1024x32xf32, #tpu.memory_space<hbm>> -> memref<1024x32xf32, #tpu.memory_space<hbm>>
    tpu.wait_indirect_dma semaphore(%arg7 : memref<!tpu.dma_semaphore, #tpu.memory_space<semaphore_mem>>) src(%dma_wait3A_56 : memref<1024x32xf32, #tpu.memory_space<hbm>>) dst(%dma_wait3A_51 : memref<128x32xf32, #tpu.memory_space<vmem>>)
    %dma_wait3A_57 = arith.constant 384 : i32
    %dma_wait3A_58 = arith.constant 0 : i32
    %dma_wait3A_59 = tpu.memref_slice %arg6[%dma_wait3A_57, %dma_wait3A_58] : memref<512x32xf32, #tpu.memory_space<vmem>> -> memref<128x32xf32, #tpu.memory_space<vmem>>
    %dma_wait3A_60 = arith.constant 384 : i32
    %dma_wait3A_61 = tpu.memref_slice %arg5[%dma_wait3A_60] : memref<512xi32, #tpu.memory_space<vmem>> -> memref<128xi32, #tpu.memory_space<vmem>>
    %dma_wait3A_62 = arith.constant 0 : i32
    %dma_wait3A_63 = arith.constant 0 : i32
    %dma_wait3A_64 = tpu.memref_slice %arg2[%dma_wait3A_62, %dma_wait3A_63] : memref<1024x32xf32, #tpu.memory_space<hbm>> -> memref<1024x32xf32, #tpu.memory_space<hbm>>
    tpu.wait_indirect_dma semaphore(%arg7 : memref<!tpu.dma_semaphore, #tpu.memory_space<semaphore_mem>>) src(%dma_wait3A_64 : memref<1024x32xf32, #tpu.memory_space<hbm>>) dst(%dma_wait3A_59 : memref<128x32xf32, #tpu.memory_space<vmem>>)
    "tpu.region"() ({
      %run_scoped3A = tpu.sem_alloc : memref<!tpu.dma_semaphore, #tpu.memory_space<semaphore_mem>>
      %dma_start3A_65 = arith.constant 0 : i32
      %dma_start3A_66 = tpu.memref_slice %arg4[%mul3A_2, %dma_start3A_65] : memref<16384x32xf32, #tpu.memory_space<hbm>> -> memref<512x32xf32, #tpu.memory_space<hbm>>
      %dma_start3A_67 = arith.constant 0 : i32
      %dma_start3A_68 = tpu.memref_slice %arg4[%mul3A_2, %dma_start3A_67] : memref<16384x32xf32, #tpu.memory_space<hbm>> -> memref<512x32xf32, #tpu.memory_space<hbm>>
      tpu.enqueue_dma source(%arg6 : memref<512x32xf32, #tpu.memory_space<vmem>>) target(%dma_start3A_68 : memref<512x32xf32, #tpu.memory_space<hbm>>) target_semaphore(%run_scoped3A : memref<!tpu.dma_semaphore, #tpu.memory_space<semaphore_mem>>)
      %dma_wait3A_69 = arith.constant 0 : i32
      %dma_wait3A_70 = tpu.memref_slice %arg4[%mul3A_2, %dma_wait3A_69] : memref<16384x32xf32, #tpu.memory_space<hbm>> -> memref<512x32xf32, #tpu.memory_space<hbm>>
      %dma_wait3A_71 = arith.constant 0 : i32
      %dma_wait3A_72 = tpu.memref_slice %arg4[%mul3A_2, %dma_wait3A_71] : memref<16384x32xf32, #tpu.memory_space<hbm>> -> memref<512x32xf32, #tpu.memory_space<hbm>>
      tpu.wait_dma2 semaphore(%run_scoped3A : memref<!tpu.dma_semaphore, #tpu.memory_space<semaphore_mem>>) src(%arg6 : memref<512x32xf32, #tpu.memory_space<vmem>>) dst(%dma_wait3A_72 : memref<512x32xf32, #tpu.memory_space<hbm>>)
      tpu.yield
    }) : () -> ()
    return
  }
}

module attributes {stable_mosaic.version = 14 : i64} {
  func.func @_assign_body(%arg0: i32, %arg1: memref<32x4096xf32, #tpu.memory_space<vmem>>, %arg2: memref<1024x32xf32, #tpu.memory_space<vmem>>, %arg3: memref<4096xi32, #tpu.memory_space<vmem>>, %arg4: memref<1x1xf32, #tpu.memory_space<vmem>>) attributes {dimension_semantics = [#tpu.dimension_semantics<arbitrary>], iteration_bounds = array<i64: 4>, scalar_prefetch = 0 : i64, scratch_operands = 0 : i64, tpu.core_type = #tpu.core_type<tc>, window_params = [{transform_indices = @transform_0, window_bounds = array<i64: 32, 4096>}, {pipeline_mode = #tpu.pipeline_mode<synchronous>, transform_indices = @transform_1, window_bounds = array<i64: 1024, 32>}, {transform_indices = @transform_2, window_bounds = array<i64: 4096>}, {pipeline_mode = #tpu.pipeline_mode<synchronous>, transform_indices = @transform_3, window_bounds = array<i64: 1, 1>}]} {
    %get3A = arith.constant 0 : index
    %get3A_0 = arith.constant 0 : index
    %get3A_1 = vector.load %arg1[%get3A, %get3A_0] : memref<32x4096xf32, #tpu.memory_space<vmem>>, vector<32x4096xf32>
    %get3A_2 = arith.constant 0 : index
    %get3A_3 = arith.constant 0 : index
    %get3A_4 = vector.load %arg2[%get3A_2, %get3A_3] : memref<1024x32xf32, #tpu.memory_space<vmem>>, vector<1024x32xf32>
    %mul3A = arith.mulf %get3A_1, %get3A_1 : vector<32x4096xf32>
    %reduce_sum3A = arith.constant dense<0.000000e+00> : vector<4096xf32>
    %reduce_sum3A_5 = vector.multi_reduction <add>, %mul3A, %reduce_sum3A [0] : vector<32x4096xf32> to vector<4096xf32>
    %broadcast_in_dim3A = vector.shape_cast %reduce_sum3A_5 : vector<4096xf32> to vector<1x4096xf32>
    %mul3A_6 = arith.mulf %get3A_4, %get3A_4 : vector<1024x32xf32>
    %reduce_sum3A_7 = arith.constant dense<0.000000e+00> : vector<1024xf32>
    %reduce_sum3A_8 = vector.multi_reduction <add>, %mul3A_6, %reduce_sum3A_7 [1] : vector<1024x32xf32> to vector<1024xf32>
    %broadcast_in_dim3A_9 = vector.shape_cast %reduce_sum3A_8 : vector<1024xf32> to vector<1024x1xf32>
    %mul3A_10 = arith.constant 2.500000e-01 : f32
    %mul3A_11 = vector.broadcast %mul3A_10 : f32 to vector<1024x1xf32>
    %mul3A_12 = arith.mulf %mul3A_11, %broadcast_in_dim3A_9 : vector<1024x1xf32>
    %dot_general3A = arith.constant dense<0.000000e+00> : vector<1024x4096xf32>
    %dot_general3A_13 = tpu.matmul %get3A_4, %get3A_1, %dot_general3A {dimension_numbers = #tpu.dot_dimension_numbers<[1], [0], [0], [1], [0, 0, 1, 1], [], []>, transpose_lhs_hint = false} : vector<1024x32xf32>, vector<32x4096xf32>, vector<1024x4096xf32> -> vector<1024x4096xf32>
    %sub3A = vector.broadcast %broadcast_in_dim3A : vector<1x4096xf32> to vector<1024x4096xf32>
    %sub3A_14 = arith.subf %sub3A, %dot_general3A_13 : vector<1024x4096xf32>
    %add3A = vector.broadcast %mul3A_12 : vector<1024x1xf32> to vector<1024x4096xf32>
    %add3A_15 = arith.addf %sub3A_14, %add3A : vector<1024x4096xf32>
    %argmin3A = tpu.reduce_index %add3A_15 {axis = 0 : i32, kind = #tpu.reduction_kind<arg_min>} : vector<1024x4096xf32> -> vector<4096xi32>
    %swap3A = arith.constant 0 : index
    %swap3A_16 = vector.load %arg3[%swap3A] : memref<4096xi32, #tpu.memory_space<vmem>>, vector<4096xi32>
    tpu.vector_store %arg3[%swap3A], %argmin3A {strides = array<i32>} : memref<4096xi32, #tpu.memory_space<vmem>>, vector<4096xi32>,
    %reduce_min3A = arith.constant dense<0x7F800000> : vector<4096xf32>
    %reduce_min3A_17 = vector.multi_reduction <minimumf>, %add3A_15, %reduce_min3A [0] : vector<1024x4096xf32> to vector<4096xf32>
    %reduce_sum3A_18 = vector.shape_cast %reduce_min3A_17 : vector<4096xf32> to vector<1x4096xf32>
    %reduce_sum3A_19 = arith.constant dense<0.000000e+00> : vector<1xf32>
    %reduce_sum3A_20 = vector.multi_reduction <add>, %reduce_sum3A_18, %reduce_sum3A_19 [1] : vector<1x4096xf32> to vector<1xf32>
    %reduce_sum3A_21 = vector.shape_cast %reduce_sum3A_20 : vector<1xf32> to vector<1x1xf32>
    %reduce_sum3A_22 = vector.extract %reduce_sum3A_21[0, 0] : f32 from vector<1x1xf32>
    %reshape3A = vector.broadcast %reduce_sum3A_22 : f32 to vector<1x1xf32>
    %eq3A = arith.constant 0 : i32
    %eq3A_23 = arith.cmpi eq, %arg0, %eq3A : i32
    %convert_element_type3A = arith.extui %eq3A_23 : i1 to i32
    %cond3A = arith.constant 0 : i32
    %cond3A_24 = arith.cmpi ne, %convert_element_type3A, %cond3A : i32
    scf.if %cond3A_24 {
      %swap3A_29 = arith.constant 0 : index
      %swap3A_30 = arith.constant 0 : index
      %swap3A_31 = vector.load %arg4[%swap3A_29, %swap3A_30] : memref<1x1xf32, #tpu.memory_space<vmem>>, vector<1x1xf32>
      tpu.vector_store %arg4[%swap3A_29, %swap3A_30], %reshape3A {strides = array<i32>} : memref<1x1xf32, #tpu.memory_space<vmem>>, vector<1x1xf32>,
    } else {
    }
    %ne3A = arith.constant 0 : i32
    %ne3A_25 = arith.cmpi ne, %arg0, %ne3A : i32
    %convert_element_type3A_26 = arith.extui %ne3A_25 : i1 to i32
    %cond3A_27 = arith.constant 0 : i32
    %cond3A_28 = arith.cmpi ne, %convert_element_type3A_26, %cond3A_27 : i32
    scf.if %cond3A_28 {
      %get3A_29 = arith.constant 0 : index
      %get3A_30 = arith.constant 0 : index
      %get3A_31 = vector.load %arg4[%get3A_29, %get3A_30] : memref<1x1xf32, #tpu.memory_space<vmem>>, vector<1x1xf32>
      %add3A_32 = arith.addf %get3A_31, %reshape3A : vector<1x1xf32>
      %swap3A_33 = arith.constant 0 : index
      %swap3A_34 = arith.constant 0 : index
      %swap3A_35 = vector.load %arg4[%swap3A_33, %swap3A_34] : memref<1x1xf32, #tpu.memory_space<vmem>>, vector<1x1xf32>
      tpu.vector_store %arg4[%swap3A_33, %swap3A_34], %add3A_32 {strides = array<i32>} : memref<1x1xf32, #tpu.memory_space<vmem>>, vector<1x1xf32>,
    } else {
    }
    return
  }
  func.func @transform_0(%arg0: i32) -> (i32, i32) {
    %add3A = arith.constant 4 : i32
    %add3A_0 = arith.addi %add3A, %arg0 : i32
    %c0_i32 = arith.constant 0 : i32
    %c0_i32_1 = arith.constant 0 : i32
    return %c0_i32, %add3A_0 : i32, i32
  }
  func.func @transform_1(%arg0: i32) -> (i32, i32) {
    %c0_i32 = arith.constant 0 : i32
    %c0_i32_0 = arith.constant 0 : i32
    %c0_i32_1 = arith.constant 0 : i32
    return %c0_i32, %c0_i32_0 : i32, i32
  }
  func.func @transform_2(%arg0: i32) -> i32 {
    %c0_i32 = arith.constant 0 : i32
    return %arg0 : i32
  }
  func.func @transform_3(%arg0: i32) -> (i32, i32) {
    %c0_i32 = arith.constant 0 : i32
    %c0_i32_0 = arith.constant 0 : i32
    %c0_i32_1 = arith.constant 0 : i32
    return %c0_i32, %c0_i32_0 : i32, i32
  }
}

module attributes {stable_mosaic.version = 14 : i64} {
  func.func @_assign_body(%arg0: i32, %arg1: memref<32x4096xf32, #tpu.memory_space<vmem>>, %arg2: memref<1024x32xf32, #tpu.memory_space<vmem>>, %arg3: memref<4096xi32, #tpu.memory_space<vmem>>, %arg4: memref<1x1xf32, #tpu.memory_space<vmem>>) attributes {dimension_semantics = [#tpu.dimension_semantics<arbitrary>], iteration_bounds = array<i64: 4>, scalar_prefetch = 0 : i64, scratch_operands = 0 : i64, tpu.core_type = #tpu.core_type<tc>, window_params = [{transform_indices = @transform_0, window_bounds = array<i64: 32, 4096>}, {pipeline_mode = #tpu.pipeline_mode<synchronous>, transform_indices = @transform_1, window_bounds = array<i64: 1024, 32>}, {transform_indices = @transform_2, window_bounds = array<i64: 4096>}, {pipeline_mode = #tpu.pipeline_mode<synchronous>, transform_indices = @transform_3, window_bounds = array<i64: 1, 1>}]} {
    %get3A = arith.constant 0 : index
    %get3A_0 = arith.constant 0 : index
    %get3A_1 = vector.load %arg1[%get3A, %get3A_0] : memref<32x4096xf32, #tpu.memory_space<vmem>>, vector<32x4096xf32>
    %get3A_2 = arith.constant 0 : index
    %get3A_3 = arith.constant 0 : index
    %get3A_4 = vector.load %arg2[%get3A_2, %get3A_3] : memref<1024x32xf32, #tpu.memory_space<vmem>>, vector<1024x32xf32>
    %mul3A = arith.mulf %get3A_1, %get3A_1 : vector<32x4096xf32>
    %reduce_sum3A = arith.constant dense<0.000000e+00> : vector<4096xf32>
    %reduce_sum3A_5 = vector.multi_reduction <add>, %mul3A, %reduce_sum3A [0] : vector<32x4096xf32> to vector<4096xf32>
    %broadcast_in_dim3A = vector.shape_cast %reduce_sum3A_5 : vector<4096xf32> to vector<1x4096xf32>
    %mul3A_6 = arith.mulf %get3A_4, %get3A_4 : vector<1024x32xf32>
    %reduce_sum3A_7 = arith.constant dense<0.000000e+00> : vector<1024xf32>
    %reduce_sum3A_8 = vector.multi_reduction <add>, %mul3A_6, %reduce_sum3A_7 [1] : vector<1024x32xf32> to vector<1024xf32>
    %broadcast_in_dim3A_9 = vector.shape_cast %reduce_sum3A_8 : vector<1024xf32> to vector<1024x1xf32>
    %mul3A_10 = arith.constant 2.500000e-01 : f32
    %mul3A_11 = vector.broadcast %mul3A_10 : f32 to vector<1024x1xf32>
    %mul3A_12 = arith.mulf %mul3A_11, %broadcast_in_dim3A_9 : vector<1024x1xf32>
    %dot_general3A = arith.constant dense<0.000000e+00> : vector<1024x4096xf32>
    %dot_general3A_13 = tpu.matmul %get3A_4, %get3A_1, %dot_general3A {dimension_numbers = #tpu.dot_dimension_numbers<[1], [0], [0], [1], [0, 0, 1, 1], [], []>, transpose_lhs_hint = false} : vector<1024x32xf32>, vector<32x4096xf32>, vector<1024x4096xf32> -> vector<1024x4096xf32>
    %sub3A = vector.broadcast %broadcast_in_dim3A : vector<1x4096xf32> to vector<1024x4096xf32>
    %sub3A_14 = arith.subf %sub3A, %dot_general3A_13 : vector<1024x4096xf32>
    %add3A = vector.broadcast %mul3A_12 : vector<1024x1xf32> to vector<1024x4096xf32>
    %add3A_15 = arith.addf %sub3A_14, %add3A : vector<1024x4096xf32>
    %argmin3A = tpu.reduce_index %add3A_15 {axis = 0 : i32, kind = #tpu.reduction_kind<arg_min>} : vector<1024x4096xf32> -> vector<4096xi32>
    %swap3A = arith.constant 0 : index
    %swap3A_16 = vector.load %arg3[%swap3A] : memref<4096xi32, #tpu.memory_space<vmem>>, vector<4096xi32>
    tpu.vector_store %arg3[%swap3A], %argmin3A {strides = array<i32>} : memref<4096xi32, #tpu.memory_space<vmem>>, vector<4096xi32>,
    %reduce_min3A = arith.constant dense<0x7F800000> : vector<4096xf32>
    %reduce_min3A_17 = vector.multi_reduction <minimumf>, %add3A_15, %reduce_min3A [0] : vector<1024x4096xf32> to vector<4096xf32>
    %reduce_sum3A_18 = vector.shape_cast %reduce_min3A_17 : vector<4096xf32> to vector<1x4096xf32>
    %reduce_sum3A_19 = arith.constant dense<0.000000e+00> : vector<1xf32>
    %reduce_sum3A_20 = vector.multi_reduction <add>, %reduce_sum3A_18, %reduce_sum3A_19 [1] : vector<1x4096xf32> to vector<1xf32>
    %reduce_sum3A_21 = vector.shape_cast %reduce_sum3A_20 : vector<1xf32> to vector<1x1xf32>
    %reduce_sum3A_22 = vector.extract %reduce_sum3A_21[0, 0] : f32 from vector<1x1xf32>
    %reshape3A = vector.broadcast %reduce_sum3A_22 : f32 to vector<1x1xf32>
    %eq3A = arith.constant 0 : i32
    %eq3A_23 = arith.cmpi eq, %arg0, %eq3A : i32
    %convert_element_type3A = arith.extui %eq3A_23 : i1 to i32
    %cond3A = arith.constant 0 : i32
    %cond3A_24 = arith.cmpi ne, %convert_element_type3A, %cond3A : i32
    scf.if %cond3A_24 {
      %swap3A_29 = arith.constant 0 : index
      %swap3A_30 = arith.constant 0 : index
      %swap3A_31 = vector.load %arg4[%swap3A_29, %swap3A_30] : memref<1x1xf32, #tpu.memory_space<vmem>>, vector<1x1xf32>
      tpu.vector_store %arg4[%swap3A_29, %swap3A_30], %reshape3A {strides = array<i32>} : memref<1x1xf32, #tpu.memory_space<vmem>>, vector<1x1xf32>,
    } else {
    }
    %ne3A = arith.constant 0 : i32
    %ne3A_25 = arith.cmpi ne, %arg0, %ne3A : i32
    %convert_element_type3A_26 = arith.extui %ne3A_25 : i1 to i32
    %cond3A_27 = arith.constant 0 : i32
    %cond3A_28 = arith.cmpi ne, %convert_element_type3A_26, %cond3A_27 : i32
    scf.if %cond3A_28 {
      %get3A_29 = arith.constant 0 : index
      %get3A_30 = arith.constant 0 : index
      %get3A_31 = vector.load %arg4[%get3A_29, %get3A_30] : memref<1x1xf32, #tpu.memory_space<vmem>>, vector<1x1xf32>
      %add3A_32 = arith.addf %get3A_31, %reshape3A : vector<1x1xf32>
      %swap3A_33 = arith.constant 0 : index
      %swap3A_34 = arith.constant 0 : index
      %swap3A_35 = vector.load %arg4[%swap3A_33, %swap3A_34] : memref<1x1xf32, #tpu.memory_space<vmem>>, vector<1x1xf32>
      tpu.vector_store %arg4[%swap3A_33, %swap3A_34], %add3A_32 {strides = array<i32>} : memref<1x1xf32, #tpu.memory_space<vmem>>, vector<1x1xf32>,
    } else {
    }
    return
  }
  func.func @transform_0(%arg0: i32) -> (i32, i32) {
    %add3A = arith.constant 0 : i32
    %add3A_0 = arith.addi %add3A, %arg0 : i32
    %c0_i32 = arith.constant 0 : i32
    %c0_i32_1 = arith.constant 0 : i32
    return %c0_i32, %add3A_0 : i32, i32
  }
  func.func @transform_1(%arg0: i32) -> (i32, i32) {
    %c0_i32 = arith.constant 0 : i32
    %c0_i32_0 = arith.constant 0 : i32
    %c0_i32_1 = arith.constant 0 : i32
    return %c0_i32, %c0_i32_0 : i32, i32
  }
  func.func @transform_2(%arg0: i32) -> i32 {
    %c0_i32 = arith.constant 0 : i32
    return %arg0 : i32
  }
  func.func @transform_3(%arg0: i32) -> (i32, i32) {
    %c0_i32 = arith.constant 0 : i32
    %c0_i32_0 = arith.constant 0 : i32
    %c0_i32_1 = arith.constant 0 : i32
    return %c0_i32, %c0_i32_0 : i32, i32
  }
}

</mosaic_0001>

<sc_bundles>
// kernel: kernel.6.cloned.1.call-start
scs
__scs_entry_jumppad:
0x0: {  	(pc) =	sbr.rel $0x88, $3  }
0x1: {  	(tag) =	ssettag $0x0;
	lr =	simm.s32 $0x1  }
0x2: {  	[smem:$0x3F9F] =	sst lr;
	_ =	strace $0xD0000000  }
0x3: {  	_ = 	snop  }
0x4: {  	_ = 	snop  }
0x5: {  	_ = 	snop  }
0x6: {  	_ = 	snop  }
0x7: {  	_ = 	snop  }
__scs_overlays_trampoline_lowered:
0x8: {  	[smem:$0x3FAE] =	sst s0  }
0x9: {  	[smem:$0x3FAF] =	sst s1  }
0xa: {  	[smem:$0x3FB0] =	sst s2  }
0xb: {  	[smem:$0x3FB1] =	sst s3  }
0xc: {  	[smem:$0x3FB2] =	sst s4  }
0xd: {  	[smem:$0x3FB3] =	sst s5  }
0xe: {  	[smem:$0x3FB4] =	sst s6  }
0xf: {  	[smem:$0x3FB5] =	sst s7  }
0x10: {  	[smem:$0x3FB6] =	sst s8  }
0x11: {  	[smem:$0x3FB7] =	sst s9;
	s0 =	simm.s32 @!p0 $0x0  }
0x12: {  	s1 =	sld [smem:$0x3F9D];
	s0 =	simm.s32 @p0 $0x1  }
0x13: {  	[smem:$0x3FB8] =	sst s0;
	s0 =	simm.s32 @!p1 $0x0  }
0x14: {  	s2 =	sld [smem:$0x3F9C];
	s0 =	simm.s32 @p1 $0x1  }
0x15: {  	[smem:$0x3FB9] =	sst s0;
	s0 =	simm.s32 @!p2 $0x0  }
0x16: {  	s3 =	sld [smem:$0x3FDB];
	s0 =	simm.s32 @p2 $0x1  }
0x17: {  	s4 =	simm.s32 $0x1BF5;
	[smem:$0x3FBB] =	sst s0  }
0x18: {  	s0 =	sld [smem:$0x3F9E];
	_ =	swait.ge [sflag:s4], $0x0  }
0x19: {  	s7 =	sld [smem:$0x3F9F]  }
0x1a: {  	s8 =	sadd.s32 $0xFFFFE003, lr  }
0x1b: {  	s9 =	sadd.s32 $0xFFFFFEF7, lr;
	s5 =	simm.s32 $0xFFFFFFFF;
	p2 =	slt.u32 s8, $0xFFFFF086  }
0x1c: {  	p1 =	slt.u32 s9, $0xF7A;
	s5 =	simm.s32 @!p2 $0x0  }
0x1d: {  	s5 =	simm.s32 @p1 $0x1;
	p0 =	seq.s32 s7, s2  }
0x1e: {  	s7 =	smul.u32 @!p0 $0xF7A, s2;
	p2 =	seq.s32 @!p0 s5, $0x0  }
0x1f: {  	s9 =	smul.u32 $0xF7A, s1;
	s8 =	simm.s32 @!p0 $0x1BF5;
	p2 =	por !p2, p0  }
0x20: {  	[sflag:s8] =	ssyncset.s32 @!p0 $0xFFFFF086;
	s6 =	sadd.s32 @!p0 s3, s7;
	s7 =	simm.s32 @!p0 $0x108  }
0x21: {  	s3 =	sadd.s32 s3, s9;
	s6 =	sadd.s32 @!p0 $0x88, s6;
	s7 =	simm.s32 @p2 $0x1082  }
0x22: {  	[simem:s7], [sflag:s8] =	dma.local @!p0 [hbm:s6], $0xF7A  }
0x23: {  	s9 =	sor.u32 $0xD0000000, s2;
	s6 =	simm.s32 $0x108;
	_ =	swait.ge @!p0 [sflag:s8], $0x0  }
0x24: {  	s3 =	sadd.s32 $0x88, s3;
	s6 =	simm.s32 @!p1 $0x1082;
	[sflag:s4] =	ssyncset.s32 $0xFFFFF086  }
0x25: {  	[simem:s6], [sflag:s4] =	dma.local [hbm:s3], $0xF7A  }
0x26: {  	[smem:$0x3F9F] =	sst s1;
	(tag) =	ssettag s2;
	_ =	strace s9  }
0x27: {  	s1 =	sld [smem:$0x3FAF]  }
0x28: {  	s2 =	sld [smem:$0x3FB0]  }
0x29: {  	s4 =	sld [smem:$0x3FB2]  }
0x2a: {  	p0 =	seq.s32 s5, $0x0;
	s5 =	sld [smem:$0x3FB3]  }
0x2b: {  	s6 =	sld [smem:$0x3FB4]  }
0x2c: {  	s7 =	sld [smem:$0x3FB5]  }
0x2d: {  	s3 =	simm.s32 $0x108;
	s8 =	sld [smem:$0x3FB6]  }
0x2e: {  	s3 =	simm.s32 @!p0 $0x1082;
	s9 =	sld [smem:$0x3FB7]  }
0x2f: {  	lr =	sadd.s32 s0, s3;
	s0 =	sld [smem:$0x3FAE]  }
0x30: {  	s3 =	sld [smem:$0x3FB1]  }
0x31: {  	[smem:$0x3FBA] =	sst s10  }
0x32: {  	s10 =	sld [smem:$0x3FB8];
	_ =	sdelay $0x3  }
0x33: {  	p0 =	seq.s32 s10, $0x1;
	s10 =	sld [smem:$0x3FBA];
	_ =	sdelay $0x3  }
0x34: {  	[smem:$0x3FBA] =	sst s10  }
0x35: {  	s10 =	sld [smem:$0x3FB9];
	_ =	sdelay $0x3  }
0x36: {  	p1 =	seq.s32 s10, $0x1;
	s10 =	sld [smem:$0x3FBA];
	_ =	sdelay $0x3  }
0x37: {  	[smem:$0x3FBA] =	sst s10  }
0x38: {  	s10 =	sld [smem:$0x3FBB]  }
0x39: {  	_ = 	snop;
	(pc) =	sbr.ind lr, $3  }
0x3a: {  	_ = 	snop  }
0x3b: {  	_ = 	snop  }
0x3c: {  	p2 =	seq.s32 s10, $0x1;
	s10 =	sld [smem:$0x3FBA]  }
0x3d: {  	_ =	shalt  }
0x3e: {  	_ =	shalt  }
0x3f: {  	_ =	shalt  }
0x40: {  	_ =	shalt  }
0x41: {  	_ =	shalt  }
0x42: {  	_ =	shalt  }
0x43: {  	_ =	shalt  }
0x44: {  	_ =	shalt  }
0x45: {  	_ =	shalt  }
0x46: {  	_ =	shalt  }
0x47: {  	_ =	shalt  }
0x48: {  	_ =	shalt  }
0x49: {  	_ =	shalt  }
0x4a: {  	_ =	shalt  }
0x4b: {  	_ =	shalt  }
0x4c: {  	_ =	shalt  }
0x4d: {  	_ =	shalt  }
0x4e: {  	_ =	shalt  }
0x4f: {  	_ =	shalt  }
0x50: {  	_ =	shalt  }
0x51: {  	_ =	shalt  }
0x52: {  	_ =	shalt  }
0x53: {  	_ =	shalt  }
0x54: {  	_ =	shalt  }
0x55: {  	_ =	shalt  }
0x56: {  	_ =	shalt  }
0x57: {  	_ =	shalt  }
0x58: {  	_ =	shalt  }
0x59: {  	_ =	shalt  }
0x5a: {  	_ =	shalt  }
0x5b: {  	_ =	shalt  }
0x5c: {  	_ =	shalt  }
0x5d: {  	_ =	shalt  }
0x5e: {  	_ =	shalt  }
0x5f: {  	_ =	shalt  }
0x60: {  	_ =	shalt  }
0x61: {  	_ =	shalt  }
0x62: {  	_ =	shalt  }
0x63: {  	_ =	shalt  }
0x64: {  	_ =	shalt  }
0x65: {  	_ =	shalt  }
0x66: {  	_ =	shalt  }
0x67: {  	_ =	shalt  }
0x68: {  	_ =	shalt  }
0x69: {  	_ =	shalt  }
0x6a: {  	_ =	shalt  }
0x6b: {  	_ =	shalt  }
0x6c: {  	_ =	shalt  }
0x6d: {  	_ =	shalt  }
0x6e: {  	_ =	shalt  }
0x6f: {  	_ =	shalt  }
0x70: {  	_ =	shalt  }
0x71: {  	_ =	shalt  }
0x72: {  	_ =	shalt  }
0x73: {  	_ =	shalt  }
0x74: {  	_ =	shalt  }
0x75: {  	_ =	shalt  }
0x76: {  	_ =	shalt  }
0x77: {  	_ =	shalt  }
0x78: {  	_ =	shalt  }
0x79: {  	_ =	shalt  }
0x7a: {  	_ =	shalt  }
0x7b: {  	_ =	shalt  }
0x7c: {  	_ =	shalt  }
0x7d: {  	_ =	shalt  }
0x7e: {  	_ =	shalt  }
0x7f: {  	_ =	shalt  }
0x80: {  	_ =	shalt  }
0x81: {  	_ =	shalt  }
0x82: {  	_ =	shalt  }
0x83: {  	_ =	shalt  }
0x84: {  	_ =	shalt  }
0x85: {  	_ =	shalt  }
0x86: {  	_ =	shalt  }
0x87: {  	_ =	shalt  }
.Lfunc_end0:
.L_simem_size_0:
called_computation_lowered:
.L_overlay_start_0:
0x88: {  	s2 =	sld [smem:$0x3FD9]  }
0x89: {  	s3 =	sld [smem:$0x3FFE];
	_ =	sdelay $0x1  }
0x8a: {  	s1 =	srdreg.scid  }
0x8b: {  	s0 =	sand.u32 $0x1, s1  }
0x8c: {  	s15 =	sshll.u32 s0, $0xA;
	s2 =	sadd.s32 s3, s2  }
0x8d: {  	s2 =	sadd.s32 s2, s15  }
0x8e: {  	[smem:$0x3FC6] =	sst s2  }
0x8f: {  	_ = 	snop  }
0x90: {  	s2 =	sld [smem:$0x3FD0];
	_ =	sdelay $0x2  }
0x91: {  	s16 =	simm.s32 $0xB;
	s4 =	simm.s32 $0x10  }
0x92: {  	[smem:s4], [sflag:s16] =	dma.local [hbm:s2], $0x1  }
0x93: {  	_ =	swait.eq [sflag:s16], $0x1  }
0x94: {  	[sflag:s16] =	ssyncset.done $0x0  }
0x95: {  	[sflag:s16] =	ssyncadd.s32 $0xFFFFFFFF  }
0x96: {  	s17 =	sld [smem:$0x10];
	(tm) =	ssettm $0x1  }
0x97: {  	s18 =	sld [smem:$0x3FFB];
	_ =	sdelay $0x3  }
0x98: {  	_ =	strace s18  }
0x99: {  	s2 =	sld [smem:$0x3FFC];
	_ =	sdelay $0x3  }
0x9a: {  	_ =	strace s2  }
0x9b: {  	s2 =	sld [smem:$0x3FFD];
	_ =	sdelay $0x3  }
0x9c: {  	_ =	strace s2  }
0x9d: {  	_ =	strace $0x8FFFFFFF  }
0x9e: {  	s19 =	sld [smem:$0x3FDB];
	_ =	sdelay $0x1  }
0x9f: {  	s20 =	simm.s32 $_scs_section_size  }
0xa0: {  	s5 =	simm.s32 $_size__tile_overlayer_lowered;
	s6 =	simm.s32 $_tile_overlayer_lowered  }
0xa1: {  	s7 =	simm.s32 $0x1BFF;
	s21 =	sshll.u32 s6, $0x1;
	s4 =	sadd.s32 s20, s19  }
0xa2: {  	s22 =	simm.s32 $0x0;
	s5 =	sshll.u32 s5, $0x1;
	s6 =	sadd.s32 s21, s4  }
0xa3: {  	[timem:s22], [sflag:s7] =	dma.local [hbm:s6], s5  }
0xa4: {  	_ =	swait.ge [sflag:s7], s5  }
0xa5: {  	s5 =	ssub.s32 $0x0, s5;
	[sflag:s7] =	ssyncset.done $0x0  }
0xa6: {  	[sflag:s7] =	ssyncadd.s32 s5;
	_ =	sdelay $0x1  }
0xa7: {  	s23 =	simm.s32 $0x1B8B  }
0xa8: {  	_ =	swait.ge [sflag:s23], $0x1  }
0xa9: {  	[sflag:s23] =	ssyncset.done $0x0  }
0xaa: {  	[sflag:s23] =	ssyncadd.s32 $0xFFFFFFFF  }
0xab: {  	s5 =	sld [smem:$0x0]  }
0xac: {  	s6 =	sand.u32 $0xFFFFFFFE, s1  }
0xad: {  	p0 =	sne.s32 s1, s6  }
0xae: {  	s6 =	sshll.u32 @p0 s6, $0xE  }
0xaf: {  	s6 =	sadd.s32 @p0 $0x11B8D, s6;
	s7 =	sshll.u32 @p0 s5, $0x11  }
0xb0: {  	s6 =	sor.u32 @p0 s7, s6  }
0xb1: {  	[sflag:s6] =	ssyncadd.remote.s32 @p0 $0x1;
	_ =	sdelay $0x1  }
0xb2: {  	s6 =	simm.s32 @p0 $0x1B8D  }
0xb3: {  	_ =	swait.eq @p0 [sflag:s6], $0x1  }
0xb4: {  	[sflag:s6] =	ssyncadd.s32 @p0 $0xFFFFFFFF  }
0xb5: {  	s7 =	sshll.u32 @!p0 s1, $0xE  }
0xb6: {  	s7 =	sor.u32 @!p0 $0x4000, s7;
	s6 =	simm.s32 @!p0 $0x1B8D  }
0xb7: {  	s5 =	sshll.u32 @!p0 s5, $0x11;
	s7 =	sadd.s32 @!p0 $0x11B8D, s7;
	_ =	swait.eq @!p0 [sflag:s6], $0x1  }
0xb8: {  	s5 =	sor.u32 @!p0 s5, s7;
	[sflag:s6] =	ssyncadd.s32 @!p0 $0xFFFFFFFF  }
0xb9: {  	s25 =	simm.s32 $0x1B8E;
	s24 =	sld [smem:$0x3FFE];
	[sflag:s5] =	ssyncadd.remote.s32 @!p0 $0x1  }
0xba: {  	s26 =	simm.s32 $execute0_lowered;
	[smem:$0x3FD2] =	sst s25  }
0xbb: {  	s6 =	sshll.u32 s26, $0x1;
	_ =	strace $0x80000049;
	[dreg:$0x1] =	wrdreg $0xFFFFFFFF  }
0xbc: {  	s28 =	simm.s32 $_size_execute0_lowered;
	s4 =	sadd.s32 s4, s6;
	[dreg:$0x0] =	wrdreg $0x0  }
0xbd: {  	s6 =	sshll.u32 s28, $0x1;
	[dreg:$0x2] =	wrdreg s4  }
0xbe: {  	[dreg:$0x3] =	wrdreg s6  }
0xbf: {  	[dreg:$0x4] =	wrdreg $0xC0  }
0xc0: {  	_ =	task [dreg:s22], $0x5FFFF  }
0xc1: {  	[dreg:$0x1] =	wrdreg $0xFFFFFFFF  }
0xc2: {  	[dreg:$0x0] =	wrdreg $0x60  }
0xc3: {  	[dreg:$0x2] =	wrdreg s24  }
0xc4: {  	[dreg:$0x3] =	wrdreg s17  }
0xc5: {  	[dreg:$0x4] =	wrdreg $0x9  }
0xc6: {  	_ =	task.clear_ibuf [dreg:s22], $0x5FFFF;
	_ =	strace $0x90000049  }
0xc7: {  	s29 =	simm.s32 $0x9;
	_ =	strace $0x8000004B  }
0xc8: {  	_ =	swait.ge [sflag:s29], $0x1  }
0xc9: {  	[sflag:s29] =	ssyncadd.s32 $0xFFFFFFFF  }
0xca: {  	_ =	strace $0x9000004B  }
0xcb: {  	_ =	sfence  }
0xcc: {  	s30 =	sld [smem:$0x0];
	_ =	sdelay $0x2  }
0xcd: {  	s31 =	sshll.u32 s1, $0xD;
	s1 =	sshrl.u32 s1, $0x2  }
0xce: {  	s4 =	sand.u32 $0x4000, s31;
	s1 =	sadd.s32 s1, s30  }
0xcf: {  	s0 =	sor.u32 s4, s0;
	s1 =	sshll.u32 s1, $0x11  }
0xd0: {  	s0 =	sor.u32 s1, s0  }
0xd1: {  	s0 =	sadd.s32 $0x8F2B, s0  }
0xd2: {  	[sflag:s0] =	ssyncadd.remote.s32 $0x1  }
0xd3: {  	_ =	sfence.sel $0xFFFF  }
0xd4: {  	[dreg:$0x0] =	wrdreg $0xFFFFFFFF;
	(pc) =	sbr.abs _section_cstart, $3  }
0xd5: {  	[dreg:$0x1] =	wrdreg $0xFFFFFFFF  }
0xd6: {  	_ =	task.clear_ibuf [dreg:s22], $0x2FFFF;
	_ =	strace $0x9FFFFFFF  }
0xd7: {  	(tm) =	ssettm $0x7FFFFFFF  }
tec
execute0_lowered:
.L_overlay_start_1:
0x0: {  	(tag) =	ssettag $0x1  }
0x1: {  	s1 =	srdreg.scid  }
0x2: {  	s0 =	stileid.u32;
	s14 =	sand.u32 $0x1, s1  }
0x3: {  	s5 =	rddreg [dreg:$0x0];
	s29 =	sshll.u32 s0, $0xA;
	s2 =	sshll.u32 s14, $0x9  }
0x4: {  	s15 =	rddreg [dreg:$0x1];
	s16 =	sor.u32 s2, s29  }
0x5: {  	s1 =	rddreg [dreg:$0x2];
	s2 =	simm.s32 $0x0;
	s3 =	sshrl.u32 s16, $0x3  }
0x6: {  	[smem:$0x7FF] =	sst s2;
	s3 =	sadd.s32 s3, s5  }
0x7: {  	_ =	strace $0x8000004A;
	s4 =	sadd.s32 $0x12E00, s3;
	s3 =	simm.s32 $0x2  }
0x8: {  	[tilespmem:s2], [sflag:$0x2] =	stream.linear.gather [hbm4b:s4+s2], $0x200, $0x38;
	[tilespmem:$0x4200] =	vst v63  }
0x9: {  	_ =	swait.ge [sflag:s3], $0x200  }
0xa: {  	s6 =	simm.s32 $0x80;
	[sflag:s3] =	ssyncset.done $0x0  }
0xb: {  	s7 =	simm.s32 $0x200;
	s5 =	sadd.s32 $0x1600, s5;
	[sflag:s3] =	ssyncadd.s32 $0xFFFFFE00  }
0xc: {  	[tilespmem:s7], [sflag:$0x1] =	stream.indirect.gather [hbm4b:s5+s6], $0x20, s2, s6, $0xb8;
	[tilespmem:$0x4200] =	vst v63  }
0xd: {  	s8 =	simm.s32 $0x1200  }
0xe: {  	[tilespmem:s8], [sflag:$0x1] =	stream.indirect.gather [hbm4b:s5+s6], $0x20, s6, s6, $0xb8;
	[tilespmem:$0x4200] =	vst v63  }
0xf: {  	s9 =	simm.s32 $0x100;
	s10 =	simm.s32 $0x2200  }
0x10: {  	[tilespmem:s10], [sflag:$0x1] =	stream.indirect.gather [hbm4b:s5+s6], $0x20, s9, s6, $0xb8;
	[tilespmem:$0x4200] =	vst v63  }
0x11: {  	s11 =	simm.s32 $0x180;
	s12 =	simm.s32 $0x3200;
	s13 =	simm.s32 $0x1  }
0x12: {  	[tilespmem:s12], [sflag:$0x1] =	stream.indirect.gather [hbm4b:s5+s6], $0x20, s11, s6, $0xb8;
	[tilespmem:$0x4200] =	vst v63  }
0x13: {  	_ =	swait.ge [sflag:s13], $0x1000  }
0x14: {  	[sflag:s13] =	ssyncset.done $0x0  }
0x15: {  	[sflag:s13] =	ssyncadd.s32 $0xFFFFF000  }
0x16: {  	_ =	swait.ge [sflag:s13], $0x1000  }
0x17: {  	[sflag:s13] =	ssyncset.done $0x0  }
0x18: {  	s14 =	ssub.s32 $0x2, s14;
	[sflag:s13] =	ssyncadd.s32 $0xFFFFF000  }
0x19: {  	s17 =	sshrl.u32 s14, $0x1;
	_ =	swait.ge [sflag:s13], $0x1000  }
0x1a: {  	s17 =	ssub.s32 s14, s17;
	[sflag:s13] =	ssyncset.done $0x0  }
0x1b: {  	s31 =	smax.u32 s17, $0x1;
	[sflag:s13] =	ssyncadd.s32 $0xFFFFF000  }
0x1c: {  	p0 =	sne.s32 s31, $0x1;
	_ =	swait.ge [sflag:s13], $0x1000  }
.Ltmp0:
0x1d: {  	s30 =	sshll.u32 s16, $0x2;
	[sflag:s13] =	ssyncset.done $0x0;
	(pc) =	sbr.rel @!p0 .LBB2_2-.Ltmp0, $4  }
0x1e: {  	s14 =	sadd.s32 s15, s30;
	[sflag:s13] =	ssyncadd.s32 $0xFFFFF000  }
0x1f: {  	[hbm4b:s14+s2] =	stream.linear.scatter [tilespmem:s7], [sflag:$0x2], $0x4000, $0x38;
	[tilespmem:$0x4200] =	vst v63  }
0x20: {  	_ =	swait.ge [sflag:s3], $0x4000  }
0x21: {  	s15 =	sadd.s32 $0xFFFFFFFF, s31;
	[sflag:s3] =	ssyncset.done $0x0  }
.LBB2_1:
0x22: {  	p0 =	sne.s32 s15, $0x1;
	s15 =	sadd.s32 $0xFFFFFFFF, s15;
	[sflag:s3] =	ssyncadd.s32 $0xFFFFC000  }
0x23: {  	[tilespmem:s2], [sflag:$0x2] =	stream.linear.gather [hbm4b:s4+s2], $0x200, $0x38;
	[tilespmem:$0x4200] =	vst v63  }
0x24: {  	_ =	swait.ge [sflag:s3], $0x200  }
0x25: {  	[sflag:s3] =	ssyncset.done $0x0  }
0x26: {  	[sflag:s3] =	ssyncadd.s32 $0xFFFFFE00  }
0x27: {  	[tilespmem:s7], [sflag:$0x1] =	stream.indirect.gather [hbm4b:s5+s6], $0x20, s2, s6, $0xb8;
	[tilespmem:$0x4200] =	vst v63  }
0x28: {  	_ = 	snop  }
0x29: {  	[tilespmem:s8], [sflag:$0x1] =	stream.indirect.gather [hbm4b:s5+s6], $0x20, s6, s6, $0xb8;
	[tilespmem:$0x4200] =	vst v63  }
0x2a: {  	_ = 	snop  }
0x2b: {  	[tilespmem:s10], [sflag:$0x1] =	stream.indirect.gather [hbm4b:s5+s6], $0x20, s9, s6, $0xb8;
	[tilespmem:$0x4200] =	vst v63  }
0x2c: {  	_ = 	snop  }
0x2d: {  	[tilespmem:s12], [sflag:$0x1] =	stream.indirect.gather [hbm4b:s5+s6], $0x20, s11, s6, $0xb8;
	[tilespmem:$0x4200] =	vst v63  }
0x2e: {  	_ =	swait.ge [sflag:s13], $0x1000  }
0x2f: {  	[sflag:s13] =	ssyncset.done $0x0  }
0x30: {  	[sflag:s13] =	ssyncadd.s32 $0xFFFFF000  }
0x31: {  	_ =	swait.ge [sflag:s13], $0x1000  }
0x32: {  	[sflag:s13] =	ssyncset.done $0x0  }
0x33: {  	[sflag:s13] =	ssyncadd.s32 $0xFFFFF000  }
0x34: {  	_ =	swait.ge [sflag:s13], $0x1000  }
0x35: {  	[sflag:s13] =	ssyncset.done $0x0  }
0x36: {  	[sflag:s13] =	ssyncadd.s32 $0xFFFFF000  }
0x37: {  	_ =	swait.ge [sflag:s13], $0x1000  }
.Ltmp1:
0x38: {  	[sflag:s13] =	ssyncset.done $0x0;
	(pc) =	sbr.rel @p0 .LBB2_1-.Ltmp1, $4  }
0x39: {  	[sflag:s13] =	ssyncadd.s32 $0xFFFFF000  }
0x3a: {  	[hbm4b:s14+s2] =	stream.linear.scatter [tilespmem:s7], [sflag:$0x2], $0x4000, $0x38;
	[tilespmem:$0x4200] =	vst v63  }
0x3b: {  	_ =	swait.ge [sflag:s3], $0x4000  }
0x3c: {  	[sflag:s3] =	ssyncset.done $0x0  }
.LBB2_2:
0x3d: {  	[sflag:s3] =	ssyncadd.s32 $0xFFFFC000  }
0x3e: {  	_ =	sfence.sel $0x180000  }
0x3f: {  	[bflag:$0x0] =	sbarrier.arrive $0xFFFF  }
0x40: {  	p0 =	sne.s32 s0, $0x0;
	_ =	strace $0x9000004A  }
0x41: {  	s0 =	sadd.s32 @!p0 $0x100000, s1;
	[bflag:$0x2] =	sbarrier.arrive $0xFFFF  }
0x42: {  	[sflag:s0] =	ssyncadd.tile.s32 @!p0 $0x1;
	_ =	shalt  }
.Lfunc_end2:
_tile_overlayer_lowered:
.L_overlay_start_2:
0x43: {  	(tag) =	ssettag $0x2  }
0x44: {  	s0 =	rddreg [dreg:$0x0];
	s2 =	stileid.u32  }
0x45: {  	s1 =	rddreg [dreg:$0x1];
	p0 =	sne.s32 s2, $0x0  }
0x46: {  	s3 =	rddreg [dreg:$0x2];
	[bflag:$0x3] =	sbarrier.arrive $0xFFFF;
	s2 =	simm.s32 @!p0 $0x1C02  }
0x47: {  	[timem:s3], [sflag:s2] =	dma.local @!p0 [hbm:s0], s1  }
0x48: {  	s0 =	simm.s32 @!p0 $0x2  }
0x49: {  	_ =	swait.ge @!p0 [sflag:s0], s1  }
0x4a: {  	s1 =	ssub.s32 @!p0 $0x0, s1;
	[sflag:s0] =	ssyncset.done @!p0 $0x0  }
0x4b: {  	[sflag:s0] =	ssyncadd.s32 @!p0 s1  }
0x4c: {  	[bflag:$0x3] =	sbarrier.arrive $0xFFFF  }
0x4d: {  	_ =	shalt  }

// kernel: kernel.9.cloned.1.call-start
scs
__scs_entry_jumppad:
0x0: {  	(pc) =	sbr.rel $0x88, $3  }
0x1: {  	(tag) =	ssettag $0x0;
	lr =	simm.s32 $0x1  }
0x2: {  	[smem:$0x3F9F] =	sst lr;
	_ =	strace $0xD0000000  }
0x3: {  	_ = 	snop  }
0x4: {  	_ = 	snop  }
0x5: {  	_ = 	snop  }
0x6: {  	_ = 	snop  }
0x7: {  	_ = 	snop  }
__scs_overlays_trampoline_lowered:
0x8: {  	[smem:$0x3FAE] =	sst s0  }
0x9: {  	[smem:$0x3FAF] =	sst s1  }
0xa: {  	[smem:$0x3FB0] =	sst s2  }
0xb: {  	[smem:$0x3FB1] =	sst s3  }
0xc: {  	[smem:$0x3FB2] =	sst s4  }
0xd: {  	[smem:$0x3FB3] =	sst s5  }
0xe: {  	[smem:$0x3FB4] =	sst s6  }
0xf: {  	[smem:$0x3FB5] =	sst s7  }
0x10: {  	[smem:$0x3FB6] =	sst s8  }
0x11: {  	[smem:$0x3FB7] =	sst s9;
	s0 =	simm.s32 @!p0 $0x0  }
0x12: {  	s1 =	sld [smem:$0x3F9D];
	s0 =	simm.s32 @p0 $0x1  }
0x13: {  	[smem:$0x3FB8] =	sst s0;
	s0 =	simm.s32 @!p1 $0x0  }
0x14: {  	s2 =	sld [smem:$0x3F9C];
	s0 =	simm.s32 @p1 $0x1  }
0x15: {  	[smem:$0x3FB9] =	sst s0;
	s0 =	simm.s32 @!p2 $0x0  }
0x16: {  	s3 =	sld [smem:$0x3FDB];
	s0 =	simm.s32 @p2 $0x1  }
0x17: {  	s4 =	simm.s32 $0x1BF5;
	[smem:$0x3FBB] =	sst s0  }
0x18: {  	s0 =	sld [smem:$0x3F9E];
	_ =	swait.ge [sflag:s4], $0x0  }
0x19: {  	s7 =	sld [smem:$0x3F9F]  }
0x1a: {  	s8 =	sadd.s32 $0xFFFFE003, lr  }
0x1b: {  	s9 =	sadd.s32 $0xFFFFFEF7, lr;
	s5 =	simm.s32 $0xFFFFFFFF;
	p2 =	slt.u32 s8, $0xFFFFF086  }
0x1c: {  	p1 =	slt.u32 s9, $0xF7A;
	s5 =	simm.s32 @!p2 $0x0  }
0x1d: {  	s5 =	simm.s32 @p1 $0x1;
	p0 =	seq.s32 s7, s2  }
0x1e: {  	s7 =	smul.u32 @!p0 $0xF7A, s2;
	p2 =	seq.s32 @!p0 s5, $0x0  }
0x1f: {  	s9 =	smul.u32 $0xF7A, s1;
	s8 =	simm.s32 @!p0 $0x1BF5;
	p2 =	por !p2, p0  }
0x20: {  	[sflag:s8] =	ssyncset.s32 @!p0 $0xFFFFF086;
	s6 =	sadd.s32 @!p0 s3, s7;
	s7 =	simm.s32 @!p0 $0x108  }
0x21: {  	s3 =	sadd.s32 s3, s9;
	s6 =	sadd.s32 @!p0 $0x88, s6;
	s7 =	simm.s32 @p2 $0x1082  }
0x22: {  	[simem:s7], [sflag:s8] =	dma.local @!p0 [hbm:s6], $0xF7A  }
0x23: {  	s9 =	sor.u32 $0xD0000000, s2;
	s6 =	simm.s32 $0x108;
	_ =	swait.ge @!p0 [sflag:s8], $0x0  }
0x24: {  	s3 =	sadd.s32 $0x88, s3;
	s6 =	simm.s32 @!p1 $0x1082;
	[sflag:s4] =	ssyncset.s32 $0xFFFFF086  }
0x25: {  	[simem:s6], [sflag:s4] =	dma.local [hbm:s3], $0xF7A  }
0x26: {  	[smem:$0x3F9F] =	sst s1;
	(tag) =	ssettag s2;
	_ =	strace s9  }
0x27: {  	s1 =	sld [smem:$0x3FAF]  }
0x28: {  	s2 =	sld [smem:$0x3FB0]  }
0x29: {  	s4 =	sld [smem:$0x3FB2]  }
0x2a: {  	p0 =	seq.s32 s5, $0x0;
	s5 =	sld [smem:$0x3FB3]  }
0x2b: {  	s6 =	sld [smem:$0x3FB4]  }
0x2c: {  	s7 =	sld [smem:$0x3FB5]  }
0x2d: {  	s3 =	simm.s32 $0x108;
	s8 =	sld [smem:$0x3FB6]  }
0x2e: {  	s3 =	simm.s32 @!p0 $0x1082;
	s9 =	sld [smem:$0x3FB7]  }
0x2f: {  	lr =	sadd.s32 s0, s3;
	s0 =	sld [smem:$0x3FAE]  }
0x30: {  	s3 =	sld [smem:$0x3FB1]  }
0x31: {  	[smem:$0x3FBA] =	sst s10  }
0x32: {  	s10 =	sld [smem:$0x3FB8];
	_ =	sdelay $0x3  }
0x33: {  	p0 =	seq.s32 s10, $0x1;
	s10 =	sld [smem:$0x3FBA];
	_ =	sdelay $0x3  }
0x34: {  	[smem:$0x3FBA] =	sst s10  }
0x35: {  	s10 =	sld [smem:$0x3FB9];
	_ =	sdelay $0x3  }
0x36: {  	p1 =	seq.s32 s10, $0x1;
	s10 =	sld [smem:$0x3FBA];
	_ =	sdelay $0x3  }
0x37: {  	[smem:$0x3FBA] =	sst s10  }
0x38: {  	s10 =	sld [smem:$0x3FBB]  }
0x39: {  	_ = 	snop;
	(pc) =	sbr.ind lr, $3  }
0x3a: {  	_ = 	snop  }
0x3b: {  	_ = 	snop  }
0x3c: {  	p2 =	seq.s32 s10, $0x1;
	s10 =	sld [smem:$0x3FBA]  }
0x3d: {  	_ =	shalt  }
0x3e: {  	_ =	shalt  }
0x3f: {  	_ =	shalt  }
0x40: {  	_ =	shalt  }
0x41: {  	_ =	shalt  }
0x42: {  	_ =	shalt  }
0x43: {  	_ =	shalt  }
0x44: {  	_ =	shalt  }
0x45: {  	_ =	shalt  }
0x46: {  	_ =	shalt  }
0x47: {  	_ =	shalt  }
0x48: {  	_ =	shalt  }
0x49: {  	_ =	shalt  }
0x4a: {  	_ =	shalt  }
0x4b: {  	_ =	shalt  }
0x4c: {  	_ =	shalt  }
0x4d: {  	_ =	shalt  }
0x4e: {  	_ =	shalt  }
0x4f: {  	_ =	shalt  }
0x50: {  	_ =	shalt  }
0x51: {  	_ =	shalt  }
0x52: {  	_ =	shalt  }
0x53: {  	_ =	shalt  }
0x54: {  	_ =	shalt  }
0x55: {  	_ =	shalt  }
0x56: {  	_ =	shalt  }
0x57: {  	_ =	shalt  }
0x58: {  	_ =	shalt  }
0x59: {  	_ =	shalt  }
0x5a: {  	_ =	shalt  }
0x5b: {  	_ =	shalt  }
0x5c: {  	_ =	shalt  }
0x5d: {  	_ =	shalt  }
0x5e: {  	_ =	shalt  }
0x5f: {  	_ =	shalt  }
0x60: {  	_ =	shalt  }
0x61: {  	_ =	shalt  }
0x62: {  	_ =	shalt  }
0x63: {  	_ =	shalt  }
0x64: {  	_ =	shalt  }
0x65: {  	_ =	shalt  }
0x66: {  	_ =	shalt  }
0x67: {  	_ =	shalt  }
0x68: {  	_ =	shalt  }
0x69: {  	_ =	shalt  }
0x6a: {  	_ =	shalt  }
0x6b: {  	_ =	shalt  }
0x6c: {  	_ =	shalt  }
0x6d: {  	_ =	shalt  }
0x6e: {  	_ =	shalt  }
0x6f: {  	_ =	shalt  }
0x70: {  	_ =	shalt  }
0x71: {  	_ =	shalt  }
0x72: {  	_ =	shalt  }
0x73: {  	_ =	shalt  }
0x74: {  	_ =	shalt  }
0x75: {  	_ =	shalt  }
0x76: {  	_ =	shalt  }
0x77: {  	_ =	shalt  }
0x78: {  	_ =	shalt  }
0x79: {  	_ =	shalt  }
0x7a: {  	_ =	shalt  }
0x7b: {  	_ =	shalt  }
0x7c: {  	_ =	shalt  }
0x7d: {  	_ =	shalt  }
0x7e: {  	_ =	shalt  }
0x7f: {  	_ =	shalt  }
0x80: {  	_ =	shalt  }
0x81: {  	_ =	shalt  }
0x82: {  	_ =	shalt  }
0x83: {  	_ =	shalt  }
0x84: {  	_ =	shalt  }
0x85: {  	_ =	shalt  }
0x86: {  	_ =	shalt  }
0x87: {  	_ =	shalt  }
.Lfunc_end0:
.L_simem_size_0:
called_computation.1_lowered:
.L_overlay_start_0:
0x88: {  	s2 =	sld [smem:$0x3FD9]  }
0x89: {  	s3 =	sld [smem:$0x3FFE];
	_ =	sdelay $0x1  }
0x8a: {  	s1 =	srdreg.scid  }
0x8b: {  	s0 =	sand.u32 $0x1, s1  }
0x8c: {  	s16 =	sshll.u32 s0, $0xA;
	s2 =	sadd.s32 s3, s2  }
0x8d: {  	s2 =	sadd.s32 s2, s16  }
0x8e: {  	[smem:$0x3FC6] =	sst s2  }
0x8f: {  	_ = 	snop  }
0x90: {  	(tm) =	ssettm $0x1  }
0x91: {  	s17 =	sld [smem:$0x3FFB];
	_ =	sdelay $0x3  }
0x92: {  	_ =	strace s17  }
0x93: {  	s2 =	sld [smem:$0x3FFC];
	_ =	sdelay $0x3  }
0x94: {  	_ =	strace s2  }
0x95: {  	s2 =	sld [smem:$0x3FFD];
	_ =	sdelay $0x3  }
0x96: {  	_ =	strace s2  }
0x97: {  	_ =	strace $0x8FFFFFFF  }
0x98: {  	s18 =	sld [smem:$0x3FDB];
	_ =	sdelay $0x1  }
0x99: {  	s19 =	simm.s32 $_scs_section_size  }
0x9a: {  	s4 =	simm.s32 $_size__tile_overlayer_lowered;
	s5 =	simm.s32 $_tile_overlayer_lowered  }
0x9b: {  	s22 =	simm.s32 $0x1BFF;
	s21 =	sshll.u32 s5, $0x1;
	s2 =	sadd.s32 s19, s18  }
0x9c: {  	s6 =	simm.s32 $0x0;
	s20 =	sshll.u32 s4, $0x1;
	s4 =	sadd.s32 s21, s2  }
0x9d: {  	[timem:s6], [sflag:s22] =	dma.local [hbm:s4], s20  }
0x9e: {  	_ =	swait.ge [sflag:s22], s20  }
0x9f: {  	s3 =	ssub.s32 $0x0, s20;
	[sflag:s22] =	ssyncset.done $0x0  }
0xa0: {  	[sflag:s22] =	ssyncadd.s32 s3;
	_ =	sdelay $0x1  }
0xa1: {  	s23 =	simm.s32 $0x1B8B  }
0xa2: {  	_ =	swait.ge [sflag:s23], $0x1  }
0xa3: {  	[sflag:s23] =	ssyncset.done $0x0  }
0xa4: {  	s25 =	simm.s32 $0x1B8E;
	s24 =	sld [smem:$0x3FFE];
	[sflag:s23] =	ssyncadd.s32 $0xFFFFFFFF  }
0xa5: {  	s26 =	simm.s32 $execute0_lowered;
	[smem:$0x3FD2] =	sst s25  }
0xa6: {  	s4 =	sshll.u32 s26, $0x1;
	_ =	strace $0x80000046;
	[dreg:$0x1] =	wrdreg $0xFFFFFFFF  }
0xa7: {  	s28 =	simm.s32 $_size_execute0_lowered;
	s2 =	sadd.s32 s2, s4;
	[dreg:$0x0] =	wrdreg $0x0  }
0xa8: {  	s4 =	sshll.u32 s28, $0x1;
	[dreg:$0x2] =	wrdreg s2  }
0xa9: {  	[dreg:$0x3] =	wrdreg s4  }
0xaa: {  	[dreg:$0x4] =	wrdreg $0xC0  }
0xab: {  	_ =	task [dreg:s6], $0x5FFFF  }
0xac: {  	[dreg:$0x1] =	wrdreg $0xFFFFFFFF  }
0xad: {  	[dreg:$0x0] =	wrdreg $0x60  }
0xae: {  	[dreg:$0x2] =	wrdreg s24  }
0xaf: {  	[dreg:$0x3] =	wrdreg $0xA  }
0xb0: {  	_ =	task.clear_ibuf [dreg:s6], $0x4FFFF;
	_ =	strace $0x90000046  }
0xb1: {  	s29 =	simm.s32 $0xA;
	_ =	strace $0x80000048  }
0xb2: {  	_ =	swait.ge [sflag:s29], $0x1  }
0xb3: {  	[sflag:s29] =	ssyncadd.s32 $0xFFFFFFFF  }
0xb4: {  	_ =	strace $0x90000048  }
0xb5: {  	_ =	sfence  }
0xb6: {  	s30 =	sld [smem:$0x0];
	_ =	sdelay $0x2  }
0xb7: {  	s31 =	sshll.u32 s1, $0xD;
	s1 =	sshrl.u32 s1, $0x2  }
0xb8: {  	s3 =	sand.u32 $0x4000, s31;
	s1 =	sadd.s32 s1, s30  }
0xb9: {  	s0 =	sor.u32 s3, s0;
	s1 =	sshll.u32 s1, $0x11  }
0xba: {  	s0 =	sor.u32 s1, s0  }
0xbb: {  	s0 =	sadd.s32 $0x8F2B, s0  }
0xbc: {  	[sflag:s0] =	ssyncadd.remote.s32 $0x1  }
0xbd: {  	_ =	sfence.sel $0xFFFF  }
0xbe: {  	[dreg:$0x0] =	wrdreg $0xFFFFFFFF;
	(pc) =	sbr.abs _section_cstart, $3  }
0xbf: {  	[dreg:$0x1] =	wrdreg $0xFFFFFFFF  }
0xc0: {  	_ =	task.clear_ibuf [dreg:s6], $0x2FFFF;
	_ =	strace $0x9FFFFFFF  }
0xc1: {  	(tm) =	ssettm $0x7FFFFFFF  }
tec
execute0_lowered:
.L_overlay_start_1:
0x0: {  	(tag) =	ssettag $0x1  }
0x1: {  	s1 =	srdreg.scid  }
0x2: {  	s0 =	stileid.u32;
	s14 =	sand.u32 $0x1, s1  }
0x3: {  	s29 =	sshll.u32 s0, $0xA;
	s2 =	sshll.u32 s14, $0x9  }
0x4: {  	s15 =	rddreg [dreg:$0x0];
	s16 =	sor.u32 s2, s29  }
0x5: {  	s1 =	rddreg [dreg:$0x1];
	s2 =	simm.s32 $0x0;
	s3 =	sshrl.u32 s16, $0x3  }
0x6: {  	[smem:$0x7FF] =	sst s2;
	s3 =	sadd.s32 s3, s15  }
0x7: {  	_ =	strace $0x80000047;
	s4 =	sadd.s32 $0x2600, s3;
	s3 =	simm.s32 $0x2  }
0x8: {  	[tilespmem:s2], [sflag:$0x2] =	stream.linear.gather [hbm4b:s4+s2], $0x200, $0x38;
	[tilespmem:$0x4200] =	vst v63  }
0x9: {  	_ =	swait.ge [sflag:s3], $0x200  }
0xa: {  	s6 =	simm.s32 $0x80;
	[sflag:s3] =	ssyncset.done $0x0  }
0xb: {  	s7 =	simm.s32 $0x200;
	s5 =	sadd.s32 $0x1600, s15;
	[sflag:s3] =	ssyncadd.s32 $0xFFFFFE00  }
0xc: {  	[tilespmem:s7], [sflag:$0x1] =	stream.indirect.gather [hbm4b:s5+s6], $0x20, s2, s6, $0xb8;
	[tilespmem:$0x4200] =	vst v63  }
0xd: {  	s8 =	simm.s32 $0x1200  }
0xe: {  	[tilespmem:s8], [sflag:$0x1] =	stream.indirect.gather [hbm4b:s5+s6], $0x20, s6, s6, $0xb8;
	[tilespmem:$0x4200] =	vst v63  }
0xf: {  	s9 =	simm.s32 $0x100;
	s10 =	simm.s32 $0x2200  }
0x10: {  	[tilespmem:s10], [sflag:$0x1] =	stream.indirect.gather [hbm4b:s5+s6], $0x20, s9, s6, $0xb8;
	[tilespmem:$0x4200] =	vst v63  }
0x11: {  	s11 =	simm.s32 $0x180;
	s12 =	simm.s32 $0x3200;
	s13 =	simm.s32 $0x1  }
0x12: {  	[tilespmem:s12], [sflag:$0x1] =	stream.indirect.gather [hbm4b:s5+s6], $0x20, s11, s6, $0xb8;
	[tilespmem:$0x4200] =	vst v63  }
0x13: {  	_ =	swait.ge [sflag:s13], $0x1000  }
0x14: {  	[sflag:s13] =	ssyncset.done $0x0  }
0x15: {  	[sflag:s13] =	ssyncadd.s32 $0xFFFFF000  }
0x16: {  	_ =	swait.ge [sflag:s13], $0x1000  }
0x17: {  	[sflag:s13] =	ssyncset.done $0x0  }
0x18: {  	s14 =	ssub.s32 $0x2, s14;
	[sflag:s13] =	ssyncadd.s32 $0xFFFFF000  }
0x19: {  	s17 =	sshrl.u32 s14, $0x1;
	_ =	swait.ge [sflag:s13], $0x1000  }
0x1a: {  	s30 =	ssub.s32 s14, s17;
	[sflag:s13] =	ssyncset.done $0x0  }
0x1b: {  	s31 =	smax.u32 s30, $0x1;
	[sflag:s13] =	ssyncadd.s32 $0xFFFFF000  }
0x1c: {  	s16 =	sshll.u32 s16, $0x2;
	p0 =	sne.s32 s31, $0x1;
	_ =	swait.ge [sflag:s13], $0x1000  }
.Ltmp0:
0x1d: {  	s15 =	sadd.s32 s16, s15;
	[sflag:s13] =	ssyncset.done $0x0;
	(pc) =	sbr.rel @!p0 .LBB2_2-.Ltmp0, $4  }
0x1e: {  	s14 =	sadd.s32 $0x2E00, s15;
	[sflag:s13] =	ssyncadd.s32 $0xFFFFF000  }
0x1f: {  	[hbm4b:s14+s2] =	stream.linear.scatter [tilespmem:s7], [sflag:$0x2], $0x4000, $0x38;
	[tilespmem:$0x4200] =	vst v63  }
0x20: {  	_ =	swait.ge [sflag:s3], $0x4000  }
0x21: {  	s15 =	sadd.s32 $0xFFFFFFFF, s31;
	[sflag:s3] =	ssyncset.done $0x0  }
.LBB2_1:
0x22: {  	p0 =	sne.s32 s15, $0x1;
	s15 =	sadd.s32 $0xFFFFFFFF, s15;
	[sflag:s3] =	ssyncadd.s32 $0xFFFFC000  }
0x23: {  	[tilespmem:s2], [sflag:$0x2] =	stream.linear.gather [hbm4b:s4+s2], $0x200, $0x38;
	[tilespmem:$0x4200] =	vst v63  }
0x24: {  	_ =	swait.ge [sflag:s3], $0x200  }
0x25: {  	[sflag:s3] =	ssyncset.done $0x0  }
0x26: {  	[sflag:s3] =	ssyncadd.s32 $0xFFFFFE00  }
0x27: {  	[tilespmem:s7], [sflag:$0x1] =	stream.indirect.gather [hbm4b:s5+s6], $0x20, s2, s6, $0xb8;
	[tilespmem:$0x4200] =	vst v63  }
0x28: {  	_ = 	snop  }
0x29: {  	[tilespmem:s8], [sflag:$0x1] =	stream.indirect.gather [hbm4b:s5+s6], $0x20, s6, s6, $0xb8;
	[tilespmem:$0x4200] =	vst v63  }
0x2a: {  	_ = 	snop  }
0x2b: {  	[tilespmem:s10], [sflag:$0x1] =	stream.indirect.gather [hbm4b:s5+s6], $0x20, s9, s6, $0xb8;
	[tilespmem:$0x4200] =	vst v63  }
0x2c: {  	_ = 	snop  }
0x2d: {  	[tilespmem:s12], [sflag:$0x1] =	stream.indirect.gather [hbm4b:s5+s6], $0x20, s11, s6, $0xb8;
	[tilespmem:$0x4200] =	vst v63  }
0x2e: {  	_ =	swait.ge [sflag:s13], $0x1000  }
0x2f: {  	[sflag:s13] =	ssyncset.done $0x0  }
0x30: {  	[sflag:s13] =	ssyncadd.s32 $0xFFFFF000  }
0x31: {  	_ =	swait.ge [sflag:s13], $0x1000  }
0x32: {  	[sflag:s13] =	ssyncset.done $0x0  }
0x33: {  	[sflag:s13] =	ssyncadd.s32 $0xFFFFF000  }
0x34: {  	_ =	swait.ge [sflag:s13], $0x1000  }
0x35: {  	[sflag:s13] =	ssyncset.done $0x0  }
0x36: {  	[sflag:s13] =	ssyncadd.s32 $0xFFFFF000  }
0x37: {  	_ =	swait.ge [sflag:s13], $0x1000  }
.Ltmp1:
0x38: {  	[sflag:s13] =	ssyncset.done $0x0;
	(pc) =	sbr.rel @p0 .LBB2_1-.Ltmp1, $4  }
0x39: {  	[sflag:s13] =	ssyncadd.s32 $0xFFFFF000  }
0x3a: {  	[hbm4b:s14+s2] =	stream.linear.scatter [tilespmem:s7], [sflag:$0x2], $0x4000, $0x38;
	[tilespmem:$0x4200] =	vst v63  }
0x3b: {  	_ =	swait.ge [sflag:s3], $0x4000  }
0x3c: {  	[sflag:s3] =	ssyncset.done $0x0  }
.LBB2_2:
0x3d: {  	[sflag:s3] =	ssyncadd.s32 $0xFFFFC000  }
0x3e: {  	_ =	sfence.sel $0x180000  }
0x3f: {  	[bflag:$0x0] =	sbarrier.arrive $0xFFFF  }
0x40: {  	p0 =	sne.s32 s0, $0x0;
	_ =	strace $0x90000047  }
0x41: {  	s0 =	sadd.s32 @!p0 $0x100000, s1;
	[bflag:$0x2] =	sbarrier.arrive $0xFFFF  }
0x42: {  	[sflag:s0] =	ssyncadd.tile.s32 @!p0 $0x1;
	_ =	shalt  }
.Lfunc_end2:
_tile_overlayer_lowered:
.L_overlay_start_2:
0x43: {  	(tag) =	ssettag $0x2  }
0x44: {  	s0 =	rddreg [dreg:$0x0];
	s2 =	stileid.u32  }
0x45: {  	s1 =	rddreg [dreg:$0x1];
	p0 =	sne.s32 s2, $0x0  }
0x46: {  	s3 =	rddreg [dreg:$0x2];
	[bflag:$0x3] =	sbarrier.arrive $0xFFFF;
	s2 =	simm.s32 @!p0 $0x1C02  }
0x47: {  	[timem:s3], [sflag:s2] =	dma.local @!p0 [hbm:s0], s1  }
0x48: {  	s0 =	simm.s32 @!p0 $0x2  }
0x49: {  	_ =	swait.ge @!p0 [sflag:s0], s1  }
0x4a: {  	s1 =	ssub.s32 @!p0 $0x0, s1;
	[sflag:s0] =	ssyncset.done @!p0 $0x0  }
0x4b: {  	[sflag:s0] =	ssyncadd.s32 @!p0 s1  }
0x4c: {  	[bflag:$0x3] =	sbarrier.arrive $0xFFFF  }
0x4d: {  	_ =	shalt  }

</sc_bundles>
